<compile_context>
chip_gen: v7x
topology: tpu7x:2x2x1
jax: 0.10.2.dev20260603
libtpu: 0.0.44.dev20260713+nightly
codegen_flags: <defaults>
</compile_context>

<pallas_src>
import functools

import jax
import jax.numpy as jnp
from jax import lax
from jax.experimental import pallas as pl
from jax.experimental.pallas import tpu as pltpu
from jax.experimental.pallas import tpu_sc as plsc

NUM_CORES = 2
NUM_SUBCORES = 16
NW = NUM_CORES * NUM_SUBCORES
CHUNK = 128
KK = 1
GROUP = KK * CHUNK
NBUF = 5
DPAD = 128


@functools.cache
def _build(B, D):
    chunks_pw = B // (NW * CHUNK)
    ngroups = chunks_pw // KK
    assert (ngroups - NBUF) % NBUF == 0 and ngroups >= 2 * NBUF
    mesh = plsc.VectorSubcoreMesh(core_axis_name="c", subcore_axis_name="s")

    @functools.partial(
        pl.kernel,
        out_type=jax.ShapeDtypeStruct((B, D), jnp.float32),
        mesh=mesh,
        scratch_types=[
            pltpu.VMEM((chunks_pw * CHUNK,), jnp.int32),
            pltpu.VMEM((NBUF, GROUP, DPAD), jnp.float32),
        ]
        + [pltpu.SemaphoreType.DMA] * (2 * NBUF),
        compiler_params=pltpu.CompilerParams(use_tc_tiling_on_sc=False),
    )
    def _gather(idx_hbm, table_hbm, out_hbm, idx_v, bufs, *sems):
        gsems = sems[:NBUF]
        wsems = sems[NBUF:]
        wid = lax.axis_index("s") * NUM_CORES + lax.axis_index("c")
        c0 = wid * chunks_pw
        pltpu.sync_copy(idx_hbm.at[pl.ds(c0 * CHUNK, chunks_pw * CHUNK)], idx_v)

        def start_gather(g, b):
            pltpu.async_copy(
                table_hbm.at[idx_v.at[pl.ds(g * GROUP, GROUP)]],
                bufs.at[b],
                gsems[b],
            )

        def wait_gather(b):
            pltpu.make_async_copy(
                table_hbm.at[idx_v.at[pl.ds(0, GROUP)]], bufs.at[b], gsems[b]
            ).wait()

        def start_write(g, b):
            pltpu.async_copy(
                bufs.at[b].at[:, pl.ds(0, D)],
                out_hbm.at[pl.ds((c0 + g * KK) * CHUNK, GROUP)],
                wsems[b],
            )

        def wait_write(b):
            pltpu.make_async_copy(
                bufs.at[b].at[:, pl.ds(0, D)],
                out_hbm.at[pl.ds(c0 * CHUNK, GROUP)],
                wsems[b],
            ).wait()

        for b in range(NBUF - 1):
            start_gather(b, b)
        wait_gather(0)
        start_write(0, 0)
        start_gather(NBUF - 1, NBUF - 1)

        @pl.loop(1, ngroups - NBUF + 1, step=NBUF)
        def _span(gbase):
            for j in range(NBUF):
                b = (1 + j) % NBUF
                g = gbase + j
                wait_gather(b)
                start_write(g, b)
                wait_write((b - 1) % NBUF)
                start_gather(g + NBUF - 1, (b - 1) % NBUF)

        for j in range(NBUF - 1):
            g = ngroups - NBUF + 1 + j
            b = g % NBUF
            wait_gather(b)
            start_write(g, b)
            wait_write((b - 1) % NBUF)
        wait_write((ngroups - 1) % NBUF)

    return _gather


@jax.jit
def kernel(token_ids, weights):
    S, T = token_ids.shape
    B = S * T
    D = weights.shape[1]
    idx_flat = token_ids.reshape(B).astype(jnp.int32)
    wpad = jnp.pad(weights, ((0, 0), (0, DPAD - D)))
    out = _build(B, D)(idx_flat, wpad)
    return out.reshape(S, T, D)

# --- scband reference (transcript-rebuilt; emitter-appended) ---
"""Pipeline reference for scband-embedding-90778428768452 (READ-ONLY COPY).

The authoritative reference and input builder live on the scoring server;
editing this copy changes nothing except your own understanding.
"""

import jax, jax.numpy as jnp
import numpy as np

NUM_EMBEDDINGS = 1000000
EMBEDDING_DIM = 64


def setup_inputs(seed: int = 0) -> dict:
    key = jax.random.key(seed)
    k_idx, k_w = jax.random.split(key)
    token_ids = jax.random.randint(k_idx, (16384, 20), 0, NUM_EMBEDDINGS, dtype=jnp.int64 if jax.config.jax_enable_x64 else jnp.int32)
    # trunc_normal_(a=-3, b=3) ~ standard normal clipped to [-3, 3]
    weights = jnp.clip(jax.random.normal(k_w, (NUM_EMBEDDINGS, EMBEDDING_DIM), dtype=jnp.float32), -3.0, 3.0)
    return {"token_ids": token_ids, "weights": weights}


def reference(token_ids, weights):
    # Embedding lookup: weights[token_ids] -> [..., d_model]
    return jnp.take(weights, token_ids, axis=0)

if __name__ == "__main__":
    import jax
    _d = setup_inputs()
    print(jax.jit(kernel)(*tuple(_d.values())))

</pallas_src>

<mosaic_0001>
#map = affine_map<(d0, d1) -> (0)>
#map1 = affine_map<(d0, d1) -> (0, 0)>
module attributes {stable_mosaic.version = 14 : i64} {
  func.func @_gather(%arg0: i32, %arg1: i32, %arg2: memref<327680xi32, #tpu.memory_space<hbm>>, %arg3: memref<1000000x128xf32, #tpu.memory_space<hbm>>, %arg4: memref<327680x64xf32, #tpu.memory_space<hbm>>, %arg5: memref<10240xi32, #tpu.memory_space<vmem>>, %arg6: memref<5x128x128xf32, #tpu.memory_space<vmem>>, %arg7: memref<!tpu.dma_semaphore, #tpu.memory_space<semaphore_mem>>, %arg8: memref<!tpu.dma_semaphore, #tpu.memory_space<semaphore_mem>>, %arg9: memref<!tpu.dma_semaphore, #tpu.memory_space<semaphore_mem>>, %arg10: memref<!tpu.dma_semaphore, #tpu.memory_space<semaphore_mem>>, %arg11: memref<!tpu.dma_semaphore, #tpu.memory_space<semaphore_mem>>, %arg12: memref<!tpu.dma_semaphore, #tpu.memory_space<semaphore_mem>>, %arg13: memref<!tpu.dma_semaphore, #tpu.memory_space<semaphore_mem>>, %arg14: memref<!tpu.dma_semaphore, #tpu.memory_space<semaphore_mem>>, %arg15: memref<!tpu.dma_semaphore, #tpu.memory_space<semaphore_mem>>, %arg16: memref<!tpu.dma_semaphore, #tpu.memory_space<semaphore_mem>>) attributes {dimension_semantics = [#tpu.dimension_semantics<core_parallel>, #tpu.dimension_semantics<subcore_parallel>], iteration_bounds = array<i64: 2, 16>, scalar_prefetch = 0 : i64, scratch_operands = 12 : i64, tpu.core_type = #tpu.core_type<sc_vector_subcore>, window_params = [{transform_indices = #map}, {transform_indices = #map1}, {transform_indices = #map1}]} {
    %mul3A = arith.constant 2 : i32
    %mul3A_0 = arith.muli %arg1, %mul3A : i32
    %add3A = arith.addi %mul3A_0, %arg0 : i32
    %mul3A_1 = arith.constant 80 : i32
    %mul3A_2 = arith.muli %add3A, %mul3A_1 : i32
    %mul3A_3 = arith.constant 128 : i32
    %mul3A_4 = arith.muli %mul3A_2, %mul3A_3 : i32
    "tpu.region"() ({
      %run_scoped3A = tpu.sem_alloc : memref<!tpu.dma_semaphore, #tpu.memory_space<semaphore_mem>>
      %dma_start3A_327 = tpu.memref_slice %arg2[%mul3A_4] : memref<327680xi32, #tpu.memory_space<hbm>> -> memref<10240xi32, #tpu.memory_space<hbm>>
      %dma_start3A_328 = tpu.memref_slice %arg2[%mul3A_4] : memref<327680xi32, #tpu.memory_space<hbm>> -> memref<10240xi32, #tpu.memory_space<hbm>>
      tpu.enqueue_dma source(%dma_start3A_328 : memref<10240xi32, #tpu.memory_space<hbm>>) target(%arg5 : memref<10240xi32, #tpu.memory_space<vmem>>) target_semaphore(%run_scoped3A : memref<!tpu.dma_semaphore, #tpu.memory_space<semaphore_mem>>)
      %dma_wait3A_329 = tpu.memref_slice %arg2[%mul3A_4] : memref<327680xi32, #tpu.memory_space<hbm>> -> memref<10240xi32, #tpu.memory_space<hbm>>
      %dma_wait3A_330 = tpu.memref_slice %arg2[%mul3A_4] : memref<327680xi32, #tpu.memory_space<hbm>> -> memref<10240xi32, #tpu.memory_space<hbm>>
      tpu.wait_dma2 semaphore(%run_scoped3A : memref<!tpu.dma_semaphore, #tpu.memory_space<semaphore_mem>>) src(%dma_wait3A_330 : memref<10240xi32, #tpu.memory_space<hbm>>) dst(%arg5 : memref<10240xi32, #tpu.memory_space<vmem>>)
      tpu.yield
    }) : () -> ()
    %dma_start3A = arith.constant 0 : i32
    %dma_start3A_5 = arith.constant 0 : i32
    %dma_start3A_6 = arith.constant 0 : i32
    %dma_start3A_7 = tpu.memref_slice %arg6[%dma_start3A, %dma_start3A_5, %dma_start3A_6] : memref<5x128x128xf32, #tpu.memory_space<vmem>> -> memref<1x128x128xf32, #tpu.memory_space<vmem>>
    %dma_start3A_8 = tpu.memref_squeeze %dma_start3A_7 : memref<1x128x128xf32, #tpu.memory_space<vmem>> -> memref<128x128xf32, #tpu.memory_space<vmem>>
    %dma_start3A_9 = arith.constant 0 : i32
    %dma_start3A_10 = tpu.memref_slice %arg5[%dma_start3A_9] : memref<10240xi32, #tpu.memory_space<vmem>> -> memref<128xi32, #tpu.memory_space<vmem>>
    %dma_start3A_11 = arith.constant 0 : i32
    %dma_start3A_12 = arith.constant 0 : i32
    %dma_start3A_13 = tpu.memref_slice %arg3[%dma_start3A_11, %dma_start3A_12] : memref<1000000x128xf32, #tpu.memory_space<hbm>> -> memref<1000000x128xf32, #tpu.memory_space<hbm>>
    tpu.enqueue_indirect_dma source(%dma_start3A_13 : memref<1000000x128xf32, #tpu.memory_space<hbm>>) target(%dma_start3A_8 : memref<128x128xf32, #tpu.memory_space<vmem>>) offsets(%dma_start3A_10 : memref<128xi32, #tpu.memory_space<vmem>>) semaphore(%arg7 : memref<!tpu.dma_semaphore, #tpu.memory_space<semaphore_mem>>)
    %dma_start3A_14 = arith.constant 1 : i32
    %dma_start3A_15 = arith.constant 0 : i32
    %dma_start3A_16 = arith.constant 0 : i32
    %dma_start3A_17 = tpu.memref_slice %arg6[%dma_start3A_14, %dma_start3A_15, %dma_start3A_16] : memref<5x128x128xf32, #tpu.memory_space<vmem>> -> memref<1x128x128xf32, #tpu.memory_space<vmem>>
    %dma_start3A_18 = tpu.memref_squeeze %dma_start3A_17 : memref<1x128x128xf32, #tpu.memory_space<vmem>> -> memref<128x128xf32, #tpu.memory_space<vmem>>
    %dma_start3A_19 = arith.constant 128 : i32
    %dma_start3A_20 = tpu.memref_slice %arg5[%dma_start3A_19] : memref<10240xi32, #tpu.memory_space<vmem>> -> memref<128xi32, #tpu.memory_space<vmem>>
    %dma_start3A_21 = arith.constant 0 : i32
    %dma_start3A_22 = arith.constant 0 : i32
    %dma_start3A_23 = tpu.memref_slice %arg3[%dma_start3A_21, %dma_start3A_22] : memref<1000000x128xf32, #tpu.memory_space<hbm>> -> memref<1000000x128xf32, #tpu.memory_space<hbm>>
    tpu.enqueue_indirect_dma source(%dma_start3A_23 : memref<1000000x128xf32, #tpu.memory_space<hbm>>) target(%dma_start3A_18 : memref<128x128xf32, #tpu.memory_space<vmem>>) offsets(%dma_start3A_20 : memref<128xi32, #tpu.memory_space<vmem>>) semaphore(%arg8 : memref<!tpu.dma_semaphore, #tpu.memory_space<semaphore_mem>>)
    %dma_start3A_24 = arith.constant 2 : i32
    %dma_start3A_25 = arith.constant 0 : i32
    %dma_start3A_26 = arith.constant 0 : i32
    %dma_start3A_27 = tpu.memref_slice %arg6[%dma_start3A_24, %dma_start3A_25, %dma_start3A_26] : memref<5x128x128xf32, #tpu.memory_space<vmem>> -> memref<1x128x128xf32, #tpu.memory_space<vmem>>
    %dma_start3A_28 = tpu.memref_squeeze %dma_start3A_27 : memref<1x128x128xf32, #tpu.memory_space<vmem>> -> memref<128x128xf32, #tpu.memory_space<vmem>>
    %dma_start3A_29 = arith.constant 256 : i32
    %dma_start3A_30 = tpu.memref_slice %arg5[%dma_start3A_29] : memref<10240xi32, #tpu.memory_space<vmem>> -> memref<128xi32, #tpu.memory_space<vmem>>
    %dma_start3A_31 = arith.constant 0 : i32
    %dma_start3A_32 = arith.constant 0 : i32
    %dma_start3A_33 = tpu.memref_slice %arg3[%dma_start3A_31, %dma_start3A_32] : memref<1000000x128xf32, #tpu.memory_space<hbm>> -> memref<1000000x128xf32, #tpu.memory_space<hbm>>
    tpu.enqueue_indirect_dma source(%dma_start3A_33 : memref<1000000x128xf32, #tpu.memory_space<hbm>>) target(%dma_start3A_28 : memref<128x128xf32, #tpu.memory_space<vmem>>) offsets(%dma_start3A_30 : memref<128xi32, #tpu.memory_space<vmem>>) semaphore(%arg9 : memref<!tpu.dma_semaphore, #tpu.memory_space<semaphore_mem>>)
    %dma_start3A_34 = arith.constant 3 : i32
    %dma_start3A_35 = arith.constant 0 : i32
    %dma_start3A_36 = arith.constant 0 : i32
    %dma_start3A_37 = tpu.memref_slice %arg6[%dma_start3A_34, %dma_start3A_35, %dma_start3A_36] : memref<5x128x128xf32, #tpu.memory_space<vmem>> -> memref<1x128x128xf32, #tpu.memory_space<vmem>>
    %dma_start3A_38 = tpu.memref_squeeze %dma_start3A_37 : memref<1x128x128xf32, #tpu.memory_space<vmem>> -> memref<128x128xf32, #tpu.memory_space<vmem>>
    %dma_start3A_39 = arith.constant 384 : i32
    %dma_start3A_40 = tpu.memref_slice %arg5[%dma_start3A_39] : memref<10240xi32, #tpu.memory_space<vmem>> -> memref<128xi32, #tpu.memory_space<vmem>>
    %dma_start3A_41 = arith.constant 0 : i32
    %dma_start3A_42 = arith.constant 0 : i32
    %dma_start3A_43 = tpu.memref_slice %arg3[%dma_start3A_41, %dma_start3A_42] : memref<1000000x128xf32, #tpu.memory_space<hbm>> -> memref<1000000x128xf32, #tpu.memory_space<hbm>>
    tpu.enqueue_indirect_dma source(%dma_start3A_43 : memref<1000000x128xf32, #tpu.memory_space<hbm>>) target(%dma_start3A_38 : memref<128x128xf32, #tpu.memory_space<vmem>>) offsets(%dma_start3A_40 : memref<128xi32, #tpu.memory_space<vmem>>) semaphore(%arg10 : memref<!tpu.dma_semaphore, #tpu.memory_space<semaphore_mem>>)
    %dma_wait3A = arith.constant 0 : i32
    %dma_wait3A_44 = arith.constant 0 : i32
    %dma_wait3A_45 = arith.constant 0 : i32
    %dma_wait3A_46 = tpu.memref_slice %arg6[%dma_wait3A, %dma_wait3A_44, %dma_wait3A_45] : memref<5x128x128xf32, #tpu.memory_space<vmem>> -> memref<1x128x128xf32, #tpu.memory_space<vmem>>
    %dma_wait3A_47 = tpu.memref_squeeze %dma_wait3A_46 : memref<1x128x128xf32, #tpu.memory_space<vmem>> -> memref<128x128xf32, #tpu.memory_space<vmem>>
    %dma_wait3A_48 = arith.constant 0 : i32
    %dma_wait3A_49 = tpu.memref_slice %arg5[%dma_wait3A_48] : memref<10240xi32, #tpu.memory_space<vmem>> -> memref<128xi32, #tpu.memory_space<vmem>>
    %dma_wait3A_50 = arith.constant 0 : i32
    %dma_wait3A_51 = arith.constant 0 : i32
    %dma_wait3A_52 = tpu.memref_slice %arg3[%dma_wait3A_50, %dma_wait3A_51] : memref<1000000x128xf32, #tpu.memory_space<hbm>> -> memref<1000000x128xf32, #tpu.memory_space<hbm>>
    tpu.wait_indirect_dma semaphore(%arg7 : memref<!tpu.dma_semaphore, #tpu.memory_space<semaphore_mem>>) src(%dma_wait3A_52 : memref<1000000x128xf32, #tpu.memory_space<hbm>>) dst(%dma_wait3A_47 : memref<128x128xf32, #tpu.memory_space<vmem>>)
    %add3A_53 = arith.constant 0 : i32
    %add3A_54 = arith.addi %mul3A_2, %add3A_53 : i32
    %mul3A_55 = arith.constant 128 : i32
    %mul3A_56 = arith.muli %add3A_54, %mul3A_55 : i32
    %dma_start3A_57 = arith.constant 0 : i32
    %dma_start3A_58 = arith.constant 0 : i32
    %dma_start3A_59 = arith.constant 0 : i32
    %dma_start3A_60 = tpu.memref_slice %arg6[%dma_start3A_57, %dma_start3A_58, %dma_start3A_59] : memref<5x128x128xf32, #tpu.memory_space<vmem>> -> memref<1x128x128xf32, #tpu.memory_space<vmem>>
    %dma_start3A_61 = tpu.memref_squeeze %dma_start3A_60 : memref<1x128x128xf32, #tpu.memory_space<vmem>> -> memref<128x128xf32, #tpu.memory_space<vmem>>
    %dma_start3A_62 = arith.constant 0 : i32
    %dma_start3A_63 = arith.constant 0 : i32
    %dma_start3A_64 = tpu.memref_slice %dma_start3A_61[%dma_start3A_62, %dma_start3A_63] : memref<128x128xf32, #tpu.memory_space<vmem>> -> memref<128x64xf32, #tpu.memory_space<vmem>>
    %dma_start3A_65 = arith.constant 0 : i32
    %dma_start3A_66 = tpu.memref_slice %arg4[%mul3A_56, %dma_start3A_65] : memref<327680x64xf32, #tpu.memory_space<hbm>> -> memref<128x64xf32, #tpu.memory_space<hbm>>
    %dma_start3A_67 = arith.constant 0 : i32
    %dma_start3A_68 = tpu.memref_slice %arg4[%mul3A_56, %dma_start3A_67] : memref<327680x64xf32, #tpu.memory_space<hbm>> -> memref<128x64xf32, #tpu.memory_space<hbm>>
    %dma_start3A_69 = arith.constant 0 : i32
    %dma_start3A_70 = arith.constant 0 : i32
    %dma_start3A_71 = tpu.memref_slice %arg6[%dma_start3A_57, %dma_start3A_69, %dma_start3A_70] : memref<5x128x128xf32, #tpu.memory_space<vmem>> -> memref<1x128x128xf32, #tpu.memory_space<vmem>>
    %dma_start3A_72 = tpu.memref_squeeze %dma_start3A_71 : memref<1x128x128xf32, #tpu.memory_space<vmem>> -> memref<128x128xf32, #tpu.memory_space<vmem>>
    %dma_start3A_73 = arith.constant 0 : i32
    %dma_start3A_74 = arith.constant 0 : i32
    %dma_start3A_75 = tpu.memref_slice %dma_start3A_72[%dma_start3A_73, %dma_start3A_74] : memref<128x128xf32, #tpu.memory_space<vmem>> -> memref<128x64xf32, #tpu.memory_space<vmem>>
    tpu.enqueue_dma source(%dma_start3A_75 : memref<128x64xf32, #tpu.memory_space<vmem>>) target(%dma_start3A_68 : memref<128x64xf32, #tpu.memory_space<hbm>>) target_semaphore(%arg12 : memref<!tpu.dma_semaphore, #tpu.memory_space<semaphore_mem>>)
    %dma_start3A_76 = arith.constant 4 : i32
    %dma_start3A_77 = arith.constant 0 : i32
    %dma_start3A_78 = arith.constant 0 : i32
    %dma_start3A_79 = tpu.memref_slice %arg6[%dma_start3A_76, %dma_start3A_77, %dma_start3A_78] : memref<5x128x128xf32, #tpu.memory_space<vmem>> -> memref<1x128x128xf32, #tpu.memory_space<vmem>>
    %dma_start3A_80 = tpu.memref_squeeze %dma_start3A_79 : memref<1x128x128xf32, #tpu.memory_space<vmem>> -> memref<128x128xf32, #tpu.memory_space<vmem>>
    %dma_start3A_81 = arith.constant 512 : i32
    %dma_start3A_82 = tpu.memref_slice %arg5[%dma_start3A_81] : memref<10240xi32, #tpu.memory_space<vmem>> -> memref<128xi32, #tpu.memory_space<vmem>>
    %dma_start3A_83 = arith.constant 0 : i32
    %dma_start3A_84 = arith.constant 0 : i32
    %dma_start3A_85 = tpu.memref_slice %arg3[%dma_start3A_83, %dma_start3A_84] : memref<1000000x128xf32, #tpu.memory_space<hbm>> -> memref<1000000x128xf32, #tpu.memory_space<hbm>>
    tpu.enqueue_indirect_dma source(%dma_start3A_85 : memref<1000000x128xf32, #tpu.memory_space<hbm>>) target(%dma_start3A_80 : memref<128x128xf32, #tpu.memory_space<vmem>>) offsets(%dma_start3A_82 : memref<128xi32, #tpu.memory_space<vmem>>) semaphore(%arg11 : memref<!tpu.dma_semaphore, #tpu.memory_space<semaphore_mem>>)
    %scan3A = arith.constant 0 : i32
    %scan3A_86 = arith.constant 15 : i32
    %scan3A_87 = arith.addi %scan3A, %scan3A_86 : i32
    %scan3A_88 = arith.constant 1 : i32
    scf.for %scan3A_327 = %scan3A to %scan3A_87 step %scan3A_88  : i32 {
      %mul3A_328 = arith.constant 5 : i32
      %mul3A_329 = arith.muli %scan3A_327, %mul3A_328 : i32
      %add3A_330 = arith.constant 1 : i32
      %add3A_331 = arith.addi %add3A_330, %mul3A_329 : i32
      %add3A_332 = arith.constant 0 : i32
      %add3A_333 = arith.addi %add3A_331, %add3A_332 : i32
      %dma_wait3A_334 = arith.constant 1 : i32
      %dma_wait3A_335 = arith.constant 0 : i32
      %dma_wait3A_336 = arith.constant 0 : i32
      %dma_wait3A_337 = tpu.memref_slice %arg6[%dma_wait3A_334, %dma_wait3A_335, %dma_wait3A_336] : memref<5x128x128xf32, #tpu.memory_space<vmem>> -> memref<1x128x128xf32, #tpu.memory_space<vmem>>
      %dma_wait3A_338 = tpu.memref_squeeze %dma_wait3A_337 : memref<1x128x128xf32, #tpu.memory_space<vmem>> -> memref<128x128xf32, #tpu.memory_space<vmem>>
      %dma_wait3A_339 = arith.constant 0 : i32
      %dma_wait3A_340 = tpu.memref_slice %arg5[%dma_wait3A_339] : memref<10240xi32, #tpu.memory_space<vmem>> -> memref<128xi32, #tpu.memory_space<vmem>>
      %dma_wait3A_341 = arith.constant 0 : i32
      %dma_wait3A_342 = arith.constant 0 : i32
      %dma_wait3A_343 = tpu.memref_slice %arg3[%dma_wait3A_341, %dma_wait3A_342] : memref<1000000x128xf32, #tpu.memory_space<hbm>> -> memref<1000000x128xf32, #tpu.memory_space<hbm>>
      tpu.wait_indirect_dma semaphore(%arg8 : memref<!tpu.dma_semaphore, #tpu.memory_space<semaphore_mem>>) src(%dma_wait3A_343 : memref<1000000x128xf32, #tpu.memory_space<hbm>>) dst(%dma_wait3A_338 : memref<128x128xf32, #tpu.memory_space<vmem>>)
      %mul3A_344 = arith.constant 1 : i32
      %mul3A_345 = arith.muli %add3A_333, %mul3A_344 : i32
      %add3A_346 = arith.addi %mul3A_2, %mul3A_345 : i32
      %mul3A_347 = arith.constant 128 : i32
      %mul3A_348 = arith.muli %add3A_346, %mul3A_347 : i32
      %dma_start3A_349 = arith.constant 1 : i32
      %dma_start3A_350 = arith.constant 0 : i32
      %dma_start3A_351 = arith.constant 0 : i32
      %dma_start3A_352 = tpu.memref_slice %arg6[%dma_start3A_349, %dma_start3A_350, %dma_start3A_351] : memref<5x128x128xf32, #tpu.memory_space<vmem>> -> memref<1x128x128xf32, #tpu.memory_space<vmem>>
      %dma_start3A_353 = tpu.memref_squeeze %dma_start3A_352 : memref<1x128x128xf32, #tpu.memory_space<vmem>> -> memref<128x128xf32, #tpu.memory_space<vmem>>
      %dma_start3A_354 = arith.constant 0 : i32
      %dma_start3A_355 = arith.constant 0 : i32
      %dma_start3A_356 = tpu.memref_slice %dma_start3A_353[%dma_start3A_354, %dma_start3A_355] : memref<128x128xf32, #tpu.memory_space<vmem>> -> memref<128x64xf32, #tpu.memory_space<vmem>>
      %dma_start3A_357 = arith.constant 0 : i32
      %dma_start3A_358 = tpu.memref_slice %arg4[%mul3A_348, %dma_start3A_357] : memref<327680x64xf32, #tpu.memory_space<hbm>> -> memref<128x64xf32, #tpu.memory_space<hbm>>
      %dma_start3A_359 = arith.constant 0 : i32
      %dma_start3A_360 = tpu.memref_slice %arg4[%mul3A_348, %dma_start3A_359] : memref<327680x64xf32, #tpu.memory_space<hbm>> -> memref<128x64xf32, #tpu.memory_space<hbm>>
      %dma_start3A_361 = arith.constant 0 : i32
      %dma_start3A_362 = arith.constant 0 : i32
      %dma_start3A_363 = tpu.memref_slice %arg6[%dma_start3A_349, %dma_start3A_361, %dma_start3A_362] : memref<5x128x128xf32, #tpu.memory_space<vmem>> -> memref<1x128x128xf32, #tpu.memory_space<vmem>>
      %dma_start3A_364 = tpu.memref_squeeze %dma_start3A_363 : memref<1x128x128xf32, #tpu.memory_space<vmem>> -> memref<128x128xf32, #tpu.memory_space<vmem>>
      %dma_start3A_365 = arith.constant 0 : i32
      %dma_start3A_366 = arith.constant 0 : i32
      %dma_start3A_367 = tpu.memref_slice %dma_start3A_364[%dma_start3A_365, %dma_start3A_366] : memref<128x128xf32, #tpu.memory_space<vmem>> -> memref<128x64xf32, #tpu.memory_space<vmem>>
      tpu.enqueue_dma source(%dma_start3A_367 : memref<128x64xf32, #tpu.memory_space<vmem>>) target(%dma_start3A_360 : memref<128x64xf32, #tpu.memory_space<hbm>>) target_semaphore(%arg13 : memref<!tpu.dma_semaphore, #tpu.memory_space<semaphore_mem>>)
      %mul3A_368 = arith.constant 128 : i32
      %mul3A_369 = arith.muli %mul3A_2, %mul3A_368 : i32
      %dma_wait3A_370 = arith.constant 0 : i32
      %dma_wait3A_371 = arith.constant 0 : i32
      %dma_wait3A_372 = arith.constant 0 : i32
      %dma_wait3A_373 = tpu.memref_slice %arg6[%dma_wait3A_370, %dma_wait3A_371, %dma_wait3A_372] : memref<5x128x128xf32, #tpu.memory_space<vmem>> -> memref<1x128x128xf32, #tpu.memory_space<vmem>>
      %dma_wait3A_374 = tpu.memref_squeeze %dma_wait3A_373 : memref<1x128x128xf32, #tpu.memory_space<vmem>> -> memref<128x128xf32, #tpu.memory_space<vmem>>
      %dma_wait3A_375 = arith.constant 0 : i32
      %dma_wait3A_376 = arith.constant 0 : i32
      %dma_wait3A_377 = tpu.memref_slice %dma_wait3A_374[%dma_wait3A_375, %dma_wait3A_376] : memref<128x128xf32, #tpu.memory_space<vmem>> -> memref<128x64xf32, #tpu.memory_space<vmem>>
      %dma_wait3A_378 = arith.constant 0 : i32
      %dma_wait3A_379 = tpu.memref_slice %arg4[%mul3A_369, %dma_wait3A_378] : memref<327680x64xf32, #tpu.memory_space<hbm>> -> memref<128x64xf32, #tpu.memory_space<hbm>>
      %dma_wait3A_380 = arith.constant 0 : i32
      %dma_wait3A_381 = tpu.memref_slice %arg4[%mul3A_369, %dma_wait3A_380] : memref<327680x64xf32, #tpu.memory_space<hbm>> -> memref<128x64xf32, #tpu.memory_space<hbm>>
      %dma_wait3A_382 = arith.constant 0 : i32
      %dma_wait3A_383 = arith.constant 0 : i32
      %dma_wait3A_384 = tpu.memref_slice %arg6[%dma_wait3A_370, %dma_wait3A_382, %dma_wait3A_383] : memref<5x128x128xf32, #tpu.memory_space<vmem>> -> memref<1x128x128xf32, #tpu.memory_space<vmem>>
      %dma_wait3A_385 = tpu.memref_squeeze %dma_wait3A_384 : memref<1x128x128xf32, #tpu.memory_space<vmem>> -> memref<128x128xf32, #tpu.memory_space<vmem>>
      %dma_wait3A_386 = arith.constant 0 : i32
      %dma_wait3A_387 = arith.constant 0 : i32
      %dma_wait3A_388 = tpu.memref_slice %dma_wait3A_385[%dma_wait3A_386, %dma_wait3A_387] : memref<128x128xf32, #tpu.memory_space<vmem>> -> memref<128x64xf32, #tpu.memory_space<vmem>>
      tpu.wait_dma2 semaphore(%arg12 : memref<!tpu.dma_semaphore, #tpu.memory_space<semaphore_mem>>) src(%dma_wait3A_388 : memref<128x64xf32, #tpu.memory_space<vmem>>) dst(%dma_wait3A_381 : memref<128x64xf32, #tpu.memory_space<hbm>>)
      %add3A_389 = arith.constant 5 : i32
      %add3A_390 = arith.addi %add3A_333, %add3A_389 : i32
      %sub3A = arith.constant 1 : i32
      %sub3A_391 = arith.subi %add3A_390, %sub3A : i32
      %mul3A_392 = arith.constant 128 : i32
      %mul3A_393 = arith.muli %sub3A_391, %mul3A_392 : i32
      %dma_start3A_394 = arith.constant 0 : i32
      %dma_start3A_395 = arith.constant 0 : i32
      %dma_start3A_396 = arith.constant 0 : i32
      %dma_start3A_397 = tpu.memref_slice %arg6[%dma_start3A_394, %dma_start3A_395, %dma_start3A_396] : memref<5x128x128xf32, #tpu.memory_space<vmem>> -> memref<1x128x128xf32, #tpu.memory_space<vmem>>
      %dma_start3A_398 = tpu.memref_squeeze %dma_start3A_397 : memref<1x128x128xf32, #tpu.memory_space<vmem>> -> memref<128x128xf32, #tpu.memory_space<vmem>>
      %dma_start3A_399 = tpu.memref_slice %arg5[%mul3A_393] : memref<10240xi32, #tpu.memory_space<vmem>> -> memref<128xi32, #tpu.memory_space<vmem>>
      %dma_start3A_400 = arith.constant 0 : i32
      %dma_start3A_401 = arith.constant 0 : i32
      %dma_start3A_402 = tpu.memref_slice %arg3[%dma_start3A_400, %dma_start3A_401] : memref<1000000x128xf32, #tpu.memory_space<hbm>> -> memref<1000000x128xf32, #tpu.memory_space<hbm>>
      tpu.enqueue_indirect_dma source(%dma_start3A_402 : memref<1000000x128xf32, #tpu.memory_space<hbm>>) target(%dma_start3A_398 : memref<128x128xf32, #tpu.memory_space<vmem>>) offsets(%dma_start3A_399 : memref<128xi32, #tpu.memory_space<vmem>>) semaphore(%arg7 : memref<!tpu.dma_semaphore, #tpu.memory_space<semaphore_mem>>)
      %add3A_403 = arith.constant 1 : i32
      %add3A_404 = arith.addi %add3A_331, %add3A_403 : i32
      %dma_wait3A_405 = arith.constant 2 : i32
      %dma_wait3A_406 = arith.constant 0 : i32
      %dma_wait3A_407 = arith.constant 0 : i32
      %dma_wait3A_408 = tpu.memref_slice %arg6[%dma_wait3A_405, %dma_wait3A_406, %dma_wait3A_407] : memref<5x128x128xf32, #tpu.memory_space<vmem>> -> memref<1x128x128xf32, #tpu.memory_space<vmem>>
      %dma_wait3A_409 = tpu.memref_squeeze %dma_wait3A_408 : memref<1x128x128xf32, #tpu.memory_space<vmem>> -> memref<128x128xf32, #tpu.memory_space<vmem>>
      %dma_wait3A_410 = arith.constant 0 : i32
      %dma_wait3A_411 = tpu.memref_slice %arg5[%dma_wait3A_410] : memref<10240xi32, #tpu.memory_space<vmem>> -> memref<128xi32, #tpu.memory_space<vmem>>
      %dma_wait3A_412 = arith.constant 0 : i32
      %dma_wait3A_413 = arith.constant 0 : i32
      %dma_wait3A_414 = tpu.memref_slice %arg3[%dma_wait3A_412, %dma_wait3A_413] : memref<1000000x128xf32, #tpu.memory_space<hbm>> -> memref<1000000x128xf32, #tpu.memory_space<hbm>>
      tpu.wait_indirect_dma semaphore(%arg9 : memref<!tpu.dma_semaphore, #tpu.memory_space<semaphore_mem>>) src(%dma_wait3A_414 : memref<1000000x128xf32, #tpu.memory_space<hbm>>) dst(%dma_wait3A_409 : memref<128x128xf32, #tpu.memory_space<vmem>>)
      %mul3A_415 = arith.constant 1 : i32
      %mul3A_416 = arith.muli %add3A_404, %mul3A_415 : i32
      %add3A_417 = arith.addi %mul3A_2, %mul3A_416 : i32
      %mul3A_418 = arith.constant 128 : i32
      %mul3A_419 = arith.muli %add3A_417, %mul3A_418 : i32
      %dma_start3A_420 = arith.constant 2 : i32
      %dma_start3A_421 = arith.constant 0 : i32
      %dma_start3A_422 = arith.constant 0 : i32
      %dma_start3A_423 = tpu.memref_slice %arg6[%dma_start3A_420, %dma_start3A_421, %dma_start3A_422] : memref<5x128x128xf32, #tpu.memory_space<vmem>> -> memref<1x128x128xf32, #tpu.memory_space<vmem>>
      %dma_start3A_424 = tpu.memref_squeeze %dma_start3A_423 : memref<1x128x128xf32, #tpu.memory_space<vmem>> -> memref<128x128xf32, #tpu.memory_space<vmem>>
      %dma_start3A_425 = arith.constant 0 : i32
      %dma_start3A_426 = arith.constant 0 : i32
      %dma_start3A_427 = tpu.memref_slice %dma_start3A_424[%dma_start3A_425, %dma_start3A_426] : memref<128x128xf32, #tpu.memory_space<vmem>> -> memref<128x64xf32, #tpu.memory_space<vmem>>
      %dma_start3A_428 = arith.constant 0 : i32
      %dma_start3A_429 = tpu.memref_slice %arg4[%mul3A_419, %dma_start3A_428] : memref<327680x64xf32, #tpu.memory_space<hbm>> -> memref<128x64xf32, #tpu.memory_space<hbm>>
      %dma_start3A_430 = arith.constant 0 : i32
      %dma_start3A_431 = tpu.memref_slice %arg4[%mul3A_419, %dma_start3A_430] : memref<327680x64xf32, #tpu.memory_space<hbm>> -> memref<128x64xf32, #tpu.memory_space<hbm>>
      %dma_start3A_432 = arith.constant 0 : i32
      %dma_start3A_433 = arith.constant 0 : i32
      %dma_start3A_434 = tpu.memref_slice %arg6[%dma_start3A_420, %dma_start3A_432, %dma_start3A_433] : memref<5x128x128xf32, #tpu.memory_space<vmem>> -> memref<1x128x128xf32, #tpu.memory_space<vmem>>
      %dma_start3A_435 = tpu.memref_squeeze %dma_start3A_434 : memref<1x128x128xf32, #tpu.memory_space<vmem>> -> memref<128x128xf32, #tpu.memory_space<vmem>>
      %dma_start3A_436 = arith.constant 0 : i32
      %dma_start3A_437 = arith.constant 0 : i32
      %dma_start3A_438 = tpu.memref_slice %dma_start3A_435[%dma_start3A_436, %dma_start3A_437] : memref<128x128xf32, #tpu.memory_space<vmem>> -> memref<128x64xf32, #tpu.memory_space<vmem>>
      tpu.enqueue_dma source(%dma_start3A_438 : memref<128x64xf32, #tpu.memory_space<vmem>>) target(%dma_start3A_431 : memref<128x64xf32, #tpu.memory_space<hbm>>) target_semaphore(%arg14 : memref<!tpu.dma_semaphore, #tpu.memory_space<semaphore_mem>>)
      %mul3A_439 = arith.constant 128 : i32
      %mul3A_440 = arith.muli %mul3A_2, %mul3A_439 : i32
      %dma_wait3A_441 = arith.constant 1 : i32
      %dma_wait3A_442 = arith.constant 0 : i32
      %dma_wait3A_443 = arith.constant 0 : i32
      %dma_wait3A_444 = tpu.memref_slice %arg6[%dma_wait3A_441, %dma_wait3A_442, %dma_wait3A_443] : memref<5x128x128xf32, #tpu.memory_space<vmem>> -> memref<1x128x128xf32, #tpu.memory_space<vmem>>
      %dma_wait3A_445 = tpu.memref_squeeze %dma_wait3A_444 : memref<1x128x128xf32, #tpu.memory_space<vmem>> -> memref<128x128xf32, #tpu.memory_space<vmem>>
      %dma_wait3A_446 = arith.constant 0 : i32
      %dma_wait3A_447 = arith.constant 0 : i32
      %dma_wait3A_448 = tpu.memref_slice %dma_wait3A_445[%dma_wait3A_446, %dma_wait3A_447] : memref<128x128xf32, #tpu.memory_space<vmem>> -> memref<128x64xf32, #tpu.memory_space<vmem>>
      %dma_wait3A_449 = arith.constant 0 : i32
      %dma_wait3A_450 = tpu.memref_slice %arg4[%mul3A_440, %dma_wait3A_449] : memref<327680x64xf32, #tpu.memory_space<hbm>> -> memref<128x64xf32, #tpu.memory_space<hbm>>
      %dma_wait3A_451 = arith.constant 0 : i32
      %dma_wait3A_452 = tpu.memref_slice %arg4[%mul3A_440, %dma_wait3A_451] : memref<327680x64xf32, #tpu.memory_space<hbm>> -> memref<128x64xf32, #tpu.memory_space<hbm>>
      %dma_wait3A_453 = arith.constant 0 : i32
      %dma_wait3A_454 = arith.constant 0 : i32
      %dma_wait3A_455 = tpu.memref_slice %arg6[%dma_wait3A_441, %dma_wait3A_453, %dma_wait3A_454] : memref<5x128x128xf32, #tpu.memory_space<vmem>> -> memref<1x128x128xf32, #tpu.memory_space<vmem>>
      %dma_wait3A_456 = tpu.memref_squeeze %dma_wait3A_455 : memref<1x128x128xf32, #tpu.memory_space<vmem>> -> memref<128x128xf32, #tpu.memory_space<vmem>>
      %dma_wait3A_457 = arith.constant 0 : i32
      %dma_wait3A_458 = arith.constant 0 : i32
      %dma_wait3A_459 = tpu.memref_slice %dma_wait3A_456[%dma_wait3A_457, %dma_wait3A_458] : memref<128x128xf32, #tpu.memory_space<vmem>> -> memref<128x64xf32, #tpu.memory_space<vmem>>
      tpu.wait_dma2 semaphore(%arg13 : memref<!tpu.dma_semaphore, #tpu.memory_space<semaphore_mem>>) src(%dma_wait3A_459 : memref<128x64xf32, #tpu.memory_space<vmem>>) dst(%dma_wait3A_452 : memref<128x64xf32, #tpu.memory_space<hbm>>)
      %add3A_460 = arith.constant 5 : i32
      %add3A_461 = arith.addi %add3A_404, %add3A_460 : i32
      %sub3A_462 = arith.constant 1 : i32
      %sub3A_463 = arith.subi %add3A_461, %sub3A_462 : i32
      %mul3A_464 = arith.constant 128 : i32
      %mul3A_465 = arith.muli %sub3A_463, %mul3A_464 : i32
      %dma_start3A_466 = arith.constant 1 : i32
      %dma_start3A_467 = arith.constant 0 : i32
      %dma_start3A_468 = arith.constant 0 : i32
      %dma_start3A_469 = tpu.memref_slice %arg6[%dma_start3A_466, %dma_start3A_467, %dma_start3A_468] : memref<5x128x128xf32, #tpu.memory_space<vmem>> -> memref<1x128x128xf32, #tpu.memory_space<vmem>>
      %dma_start3A_470 = tpu.memref_squeeze %dma_start3A_469 : memref<1x128x128xf32, #tpu.memory_space<vmem>> -> memref<128x128xf32, #tpu.memory_space<vmem>>
      %dma_start3A_471 = tpu.memref_slice %arg5[%mul3A_465] : memref<10240xi32, #tpu.memory_space<vmem>> -> memref<128xi32, #tpu.memory_space<vmem>>
      %dma_start3A_472 = arith.constant 0 : i32
      %dma_start3A_473 = arith.constant 0 : i32
      %dma_start3A_474 = tpu.memref_slice %arg3[%dma_start3A_472, %dma_start3A_473] : memref<1000000x128xf32, #tpu.memory_space<hbm>> -> memref<1000000x128xf32, #tpu.memory_space<hbm>>
      tpu.enqueue_indirect_dma source(%dma_start3A_474 : memref<1000000x128xf32, #tpu.memory_space<hbm>>) target(%dma_start3A_470 : memref<128x128xf32, #tpu.memory_space<vmem>>) offsets(%dma_start3A_471 : memref<128xi32, #tpu.memory_space<vmem>>) semaphore(%arg8 : memref<!tpu.dma_semaphore, #tpu.memory_space<semaphore_mem>>)
      %add3A_475 = arith.constant 2 : i32
      %add3A_476 = arith.addi %add3A_331, %add3A_475 : i32
      %dma_wait3A_477 = arith.constant 3 : i32
      %dma_wait3A_478 = arith.constant 0 : i32
      %dma_wait3A_479 = arith.constant 0 : i32
      %dma_wait3A_480 = tpu.memref_slice %arg6[%dma_wait3A_477, %dma_wait3A_478, %dma_wait3A_479] : memref<5x128x128xf32, #tpu.memory_space<vmem>> -> memref<1x128x128xf32, #tpu.memory_space<vmem>>
      %dma_wait3A_481 = tpu.memref_squeeze %dma_wait3A_480 : memref<1x128x128xf32, #tpu.memory_space<vmem>> -> memref<128x128xf32, #tpu.memory_space<vmem>>
      %dma_wait3A_482 = arith.constant 0 : i32
      %dma_wait3A_483 = tpu.memref_slice %arg5[%dma_wait3A_482] : memref<10240xi32, #tpu.memory_space<vmem>> -> memref<128xi32, #tpu.memory_space<vmem>>
      %dma_wait3A_484 = arith.constant 0 : i32
      %dma_wait3A_485 = arith.constant 0 : i32
      %dma_wait3A_486 = tpu.memref_slice %arg3[%dma_wait3A_484, %dma_wait3A_485] : memref<1000000x128xf32, #tpu.memory_space<hbm>> -> memref<1000000x128xf32, #tpu.memory_space<hbm>>
      tpu.wait_indirect_dma semaphore(%arg10 : memref<!tpu.dma_semaphore, #tpu.memory_space<semaphore_mem>>) src(%dma_wait3A_486 : memref<1000000x128xf32, #tpu.memory_space<hbm>>) dst(%dma_wait3A_481 : memref<128x128xf32, #tpu.memory_space<vmem>>)
      %mul3A_487 = arith.constant 1 : i32
      %mul3A_488 = arith.muli %add3A_476, %mul3A_487 : i32
      %add3A_489 = arith.addi %mul3A_2, %mul3A_488 : i32
      %mul3A_490 = arith.constant 128 : i32
      %mul3A_491 = arith.muli %add3A_489, %mul3A_490 : i32
      %dma_start3A_492 = arith.constant 3 : i32
      %dma_start3A_493 = arith.constant 0 : i32
      %dma_start3A_494 = arith.constant 0 : i32
      %dma_start3A_495 = tpu.memref_slice %arg6[%dma_start3A_492, %dma_start3A_493, %dma_start3A_494] : memref<5x128x128xf32, #tpu.memory_space<vmem>> -> memref<1x128x128xf32, #tpu.memory_space<vmem>>
      %dma_start3A_496 = tpu.memref_squeeze %dma_start3A_495 : memref<1x128x128xf32, #tpu.memory_space<vmem>> -> memref<128x128xf32, #tpu.memory_space<vmem>>
      %dma_start3A_497 = arith.constant 0 : i32
      %dma_start3A_498 = arith.constant 0 : i32
      %dma_start3A_499 = tpu.memref_slice %dma_start3A_496[%dma_start3A_497, %dma_start3A_498] : memref<128x128xf32, #tpu.memory_space<vmem>> -> memref<128x64xf32, #tpu.memory_space<vmem>>
      %dma_start3A_500 = arith.constant 0 : i32
      %dma_start3A_501 = tpu.memref_slice %arg4[%mul3A_491, %dma_start3A_500] : memref<327680x64xf32, #tpu.memory_space<hbm>> -> memref<128x64xf32, #tpu.memory_space<hbm>>
      %dma_start3A_502 = arith.constant 0 : i32
      %dma_start3A_503 = tpu.memref_slice %arg4[%mul3A_491, %dma_start3A_502] : memref<327680x64xf32, #tpu.memory_space<hbm>> -> memref<128x64xf32, #tpu.memory_space<hbm>>
      %dma_start3A_504 = arith.constant 0 : i32
      %dma_start3A_505 = arith.constant 0 : i32
      %dma_start3A_506 = tpu.memref_slice %arg6[%dma_start3A_492, %dma_start3A_504, %dma_start3A_505] : memref<5x128x128xf32, #tpu.memory_space<vmem>> -> memref<1x128x128xf32, #tpu.memory_space<vmem>>
      %dma_start3A_507 = tpu.memref_squeeze %dma_start3A_506 : memref<1x128x128xf32, #tpu.memory_space<vmem>> -> memref<128x128xf32, #tpu.memory_space<vmem>>
      %dma_start3A_508 = arith.constant 0 : i32
      %dma_start3A_509 = arith.constant 0 : i32
      %dma_start3A_510 = tpu.memref_slice %dma_start3A_507[%dma_start3A_508, %dma_start3A_509] : memref<128x128xf32, #tpu.memory_space<vmem>> -> memref<128x64xf32, #tpu.memory_space<vmem>>
      tpu.enqueue_dma source(%dma_start3A_510 : memref<128x64xf32, #tpu.memory_space<vmem>>) target(%dma_start3A_503 : memref<128x64xf32, #tpu.memory_space<hbm>>) target_semaphore(%arg15 : memref<!tpu.dma_semaphore, #tpu.memory_space<semaphore_mem>>)
      %mul3A_511 = arith.constant 128 : i32
      %mul3A_512 = arith.muli %mul3A_2, %mul3A_511 : i32
      %dma_wait3A_513 = arith.constant 2 : i32
      %dma_wait3A_514 = arith.constant 0 : i32
      %dma_wait3A_515 = arith.constant 0 : i32
      %dma_wait3A_516 = tpu.memref_slice %arg6[%dma_wait3A_513, %dma_wait3A_514, %dma_wait3A_515] : memref<5x128x128xf32, #tpu.memory_space<vmem>> -> memref<1x128x128xf32, #tpu.memory_space<vmem>>
      %dma_wait3A_517 = tpu.memref_squeeze %dma_wait3A_516 : memref<1x128x128xf32, #tpu.memory_space<vmem>> -> memref<128x128xf32, #tpu.memory_space<vmem>>
      %dma_wait3A_518 = arith.constant 0 : i32
      %dma_wait3A_519 = arith.constant 0 : i32
      %dma_wait3A_520 = tpu.memref_slice %dma_wait3A_517[%dma_wait3A_518, %dma_wait3A_519] : memref<128x128xf32, #tpu.memory_space<vmem>> -> memref<128x64xf32, #tpu.memory_space<vmem>>
      %dma_wait3A_521 = arith.constant 0 : i32
      %dma_wait3A_522 = tpu.memref_slice %arg4[%mul3A_512, %dma_wait3A_521] : memref<327680x64xf32, #tpu.memory_space<hbm>> -> memref<128x64xf32, #tpu.memory_space<hbm>>
      %dma_wait3A_523 = arith.constant 0 : i32
      %dma_wait3A_524 = tpu.memref_slice %arg4[%mul3A_512, %dma_wait3A_523] : memref<327680x64xf32, #tpu.memory_space<hbm>> -> memref<128x64xf32, #tpu.memory_space<hbm>>
      %dma_wait3A_525 = arith.constant 0 : i32
      %dma_wait3A_526 = arith.constant 0 : i32
      %dma_wait3A_527 = tpu.memref_slice %arg6[%dma_wait3A_513, %dma_wait3A_525, %dma_wait3A_526] : memref<5x128x128xf32, #tpu.memory_space<vmem>> -> memref<1x128x128xf32, #tpu.memory_space<vmem>>
      %dma_wait3A_528 = tpu.memref_squeeze %dma_wait3A_527 : memref<1x128x128xf32, #tpu.memory_space<vmem>> -> memref<128x128xf32, #tpu.memory_space<vmem>>
      %dma_wait3A_529 = arith.constant 0 : i32
      %dma_wait3A_530 = arith.constant 0 : i32
      %dma_wait3A_531 = tpu.memref_slice %dma_wait3A_528[%dma_wait3A_529, %dma_wait3A_530] : memref<128x128xf32, #tpu.memory_space<vmem>> -> memref<128x64xf32, #tpu.memory_space<vmem>>
      tpu.wait_dma2 semaphore(%arg14 : memref<!tpu.dma_semaphore, #tpu.memory_space<semaphore_mem>>) src(%dma_wait3A_531 : memref<128x64xf32, #tpu.memory_space<vmem>>) dst(%dma_wait3A_524 : memref<128x64xf32, #tpu.memory_space<hbm>>)
      %add3A_532 = arith.constant 5 : i32
      %add3A_533 = arith.addi %add3A_476, %add3A_532 : i32
      %sub3A_534 = arith.constant 1 : i32
      %sub3A_535 = arith.subi %add3A_533, %sub3A_534 : i32
      %mul3A_536 = arith.constant 128 : i32
      %mul3A_537 = arith.muli %sub3A_535, %mul3A_536 : i32
      %dma_start3A_538 = arith.constant 2 : i32
      %dma_start3A_539 = arith.constant 0 : i32
      %dma_start3A_540 = arith.constant 0 : i32
      %dma_start3A_541 = tpu.memref_slice %arg6[%dma_start3A_538, %dma_start3A_539, %dma_start3A_540] : memref<5x128x128xf32, #tpu.memory_space<vmem>> -> memref<1x128x128xf32, #tpu.memory_space<vmem>>
      %dma_start3A_542 = tpu.memref_squeeze %dma_start3A_541 : memref<1x128x128xf32, #tpu.memory_space<vmem>> -> memref<128x128xf32, #tpu.memory_space<vmem>>
      %dma_start3A_543 = tpu.memref_slice %arg5[%mul3A_537] : memref<10240xi32, #tpu.memory_space<vmem>> -> memref<128xi32, #tpu.memory_space<vmem>>
      %dma_start3A_544 = arith.constant 0 : i32
      %dma_start3A_545 = arith.constant 0 : i32
      %dma_start3A_546 = tpu.memref_slice %arg3[%dma_start3A_544, %dma_start3A_545] : memref<1000000x128xf32, #tpu.memory_space<hbm>> -> memref<1000000x128xf32, #tpu.memory_space<hbm>>
      tpu.enqueue_indirect_dma source(%dma_start3A_546 : memref<1000000x128xf32, #tpu.memory_space<hbm>>) target(%dma_start3A_542 : memref<128x128xf32, #tpu.memory_space<vmem>>) offsets(%dma_start3A_543 : memref<128xi32, #tpu.memory_space<vmem>>) semaphore(%arg9 : memref<!tpu.dma_semaphore, #tpu.memory_space<semaphore_mem>>)
      %add3A_547 = arith.constant 3 : i32
      %add3A_548 = arith.addi %add3A_331, %add3A_547 : i32
      %dma_wait3A_549 = arith.constant 4 : i32
      %dma_wait3A_550 = arith.constant 0 : i32
      %dma_wait3A_551 = arith.constant 0 : i32
      %dma_wait3A_552 = tpu.memref_slice %arg6[%dma_wait3A_549, %dma_wait3A_550, %dma_wait3A_551] : memref<5x128x128xf32, #tpu.memory_space<vmem>> -> memref<1x128x128xf32, #tpu.memory_space<vmem>>
      %dma_wait3A_553 = tpu.memref_squeeze %dma_wait3A_552 : memref<1x128x128xf32, #tpu.memory_space<vmem>> -> memref<128x128xf32, #tpu.memory_space<vmem>>
      %dma_wait3A_554 = arith.constant 0 : i32
      %dma_wait3A_555 = tpu.memref_slice %arg5[%dma_wait3A_554] : memref<10240xi32, #tpu.memory_space<vmem>> -> memref<128xi32, #tpu.memory_space<vmem>>
      %dma_wait3A_556 = arith.constant 0 : i32
      %dma_wait3A_557 = arith.constant 0 : i32
      %dma_wait3A_558 = tpu.memref_slice %arg3[%dma_wait3A_556, %dma_wait3A_557] : memref<1000000x128xf32, #tpu.memory_space<hbm>> -> memref<1000000x128xf32, #tpu.memory_space<hbm>>
      tpu.wait_indirect_dma semaphore(%arg11 : memref<!tpu.dma_semaphore, #tpu.memory_space<semaphore_mem>>) src(%dma_wait3A_558 : memref<1000000x128xf32, #tpu.memory_space<hbm>>) dst(%dma_wait3A_553 : memref<128x128xf32, #tpu.memory_space<vmem>>)
      %mul3A_559 = arith.constant 1 : i32
      %mul3A_560 = arith.muli %add3A_548, %mul3A_559 : i32
      %add3A_561 = arith.addi %mul3A_2, %mul3A_560 : i32
      %mul3A_562 = arith.constant 128 : i32
      %mul3A_563 = arith.muli %add3A_561, %mul3A_562 : i32
      %dma_start3A_564 = arith.constant 4 : i32
      %dma_start3A_565 = arith.constant 0 : i32
      %dma_start3A_566 = arith.constant 0 : i32
      %dma_start3A_567 = tpu.memref_slice %arg6[%dma_start3A_564, %dma_start3A_565, %dma_start3A_566] : memref<5x128x128xf32, #tpu.memory_space<vmem>> -> memref<1x128x128xf32, #tpu.memory_space<vmem>>
      %dma_start3A_568 = tpu.memref_squeeze %dma_start3A_567 : memref<1x128x128xf32, #tpu.memory_space<vmem>> -> memref<128x128xf32, #tpu.memory_space<vmem>>
      %dma_start3A_569 = arith.constant 0 : i32
      %dma_start3A_570 = arith.constant 0 : i32
      %dma_start3A_571 = tpu.memref_slice %dma_start3A_568[%dma_start3A_569, %dma_start3A_570] : memref<128x128xf32, #tpu.memory_space<vmem>> -> memref<128x64xf32, #tpu.memory_space<vmem>>
      %dma_start3A_572 = arith.constant 0 : i32
      %dma_start3A_573 = tpu.memref_slice %arg4[%mul3A_563, %dma_start3A_572] : memref<327680x64xf32, #tpu.memory_space<hbm>> -> memref<128x64xf32, #tpu.memory_space<hbm>>
      %dma_start3A_574 = arith.constant 0 : i32
      %dma_start3A_575 = tpu.memref_slice %arg4[%mul3A_563, %dma_start3A_574] : memref<327680x64xf32, #tpu.memory_space<hbm>> -> memref<128x64xf32, #tpu.memory_space<hbm>>
      %dma_start3A_576 = arith.constant 0 : i32
      %dma_start3A_577 = arith.constant 0 : i32
      %dma_start3A_578 = tpu.memref_slice %arg6[%dma_start3A_564, %dma_start3A_576, %dma_start3A_577] : memref<5x128x128xf32, #tpu.memory_space<vmem>> -> memref<1x128x128xf32, #tpu.memory_space<vmem>>
      %dma_start3A_579 = tpu.memref_squeeze %dma_start3A_578 : memref<1x128x128xf32, #tpu.memory_space<vmem>> -> memref<128x128xf32, #tpu.memory_space<vmem>>
      %dma_start3A_580 = arith.constant 0 : i32
      %dma_start3A_581 = arith.constant 0 : i32
      %dma_start3A_582 = tpu.memref_slice %dma_start3A_579[%dma_start3A_580, %dma_start3A_581] : memref<128x128xf32, #tpu.memory_space<vmem>> -> memref<128x64xf32, #tpu.memory_space<vmem>>
      tpu.enqueue_dma source(%dma_start3A_582 : memref<128x64xf32, #tpu.memory_space<vmem>>) target(%dma_start3A_575 : memref<128x64xf32, #tpu.memory_space<hbm>>) target_semaphore(%arg16 : memref<!tpu.dma_semaphore, #tpu.memory_space<semaphore_mem>>)
      %mul3A_583 = arith.constant 128 : i32
      %mul3A_584 = arith.muli %mul3A_2, %mul3A_583 : i32
      %dma_wait3A_585 = arith.constant 3 : i32
      %dma_wait3A_586 = arith.constant 0 : i32
      %dma_wait3A_587 = arith.constant 0 : i32
      %dma_wait3A_588 = tpu.memref_slice %arg6[%dma_wait3A_585, %dma_wait3A_586, %dma_wait3A_587] : memref<5x128x128xf32, #tpu.memory_space<vmem>> -> memref<1x128x128xf32, #tpu.memory_space<vmem>>
      %dma_wait3A_589 = tpu.memref_squeeze %dma_wait3A_588 : memref<1x128x128xf32, #tpu.memory_space<vmem>> -> memref<128x128xf32, #tpu.memory_space<vmem>>
      %dma_wait3A_590 = arith.constant 0 : i32
      %dma_wait3A_591 = arith.constant 0 : i32
      %dma_wait3A_592 = tpu.memref_slice %dma_wait3A_589[%dma_wait3A_590, %dma_wait3A_591] : memref<128x128xf32, #tpu.memory_space<vmem>> -> memref<128x64xf32, #tpu.memory_space<vmem>>
      %dma_wait3A_593 = arith.constant 0 : i32
      %dma_wait3A_594 = tpu.memref_slice %arg4[%mul3A_584, %dma_wait3A_593] : memref<327680x64xf32, #tpu.memory_space<hbm>> -> memref<128x64xf32, #tpu.memory_space<hbm>>
      %dma_wait3A_595 = arith.constant 0 : i32
      %dma_wait3A_596 = tpu.memref_slice %arg4[%mul3A_584, %dma_wait3A_595] : memref<327680x64xf32, #tpu.memory_space<hbm>> -> memref<128x64xf32, #tpu.memory_space<hbm>>
      %dma_wait3A_597 = arith.constant 0 : i32
      %dma_wait3A_598 = arith.constant 0 : i32
      %dma_wait3A_599 = tpu.memref_slice %arg6[%dma_wait3A_585, %dma_wait3A_597, %dma_wait3A_598] : memref<5x128x128xf32, #tpu.memory_space<vmem>> -> memref<1x128x128xf32, #tpu.memory_space<vmem>>
      %dma_wait3A_600 = tpu.memref_squeeze %dma_wait3A_599 : memref<1x128x128xf32, #tpu.memory_space<vmem>> -> memref<128x128xf32, #tpu.memory_space<vmem>>
      %dma_wait3A_601 = arith.constant 0 : i32
      %dma_wait3A_602 = arith.constant 0 : i32
      %dma_wait3A_603 = tpu.memref_slice %dma_wait3A_600[%dma_wait3A_601, %dma_wait3A_602] : memref<128x128xf32, #tpu.memory_space<vmem>> -> memref<128x64xf32, #tpu.memory_space<vmem>>
      tpu.wait_dma2 semaphore(%arg15 : memref<!tpu.dma_semaphore, #tpu.memory_space<semaphore_mem>>) src(%dma_wait3A_603 : memref<128x64xf32, #tpu.memory_space<vmem>>) dst(%dma_wait3A_596 : memref<128x64xf32, #tpu.memory_space<hbm>>)
      %add3A_604 = arith.constant 5 : i32
      %add3A_605 = arith.addi %add3A_548, %add3A_604 : i32
      %sub3A_606 = arith.constant 1 : i32
      %sub3A_607 = arith.subi %add3A_605, %sub3A_606 : i32
      %mul3A_608 = arith.constant 128 : i32
      %mul3A_609 = arith.muli %sub3A_607, %mul3A_608 : i32
      %dma_start3A_610 = arith.constant 3 : i32
      %dma_start3A_611 = arith.constant 0 : i32
      %dma_start3A_612 = arith.constant 0 : i32
      %dma_start3A_613 = tpu.memref_slice %arg6[%dma_start3A_610, %dma_start3A_611, %dma_start3A_612] : memref<5x128x128xf32, #tpu.memory_space<vmem>> -> memref<1x128x128xf32, #tpu.memory_space<vmem>>
      %dma_start3A_614 = tpu.memref_squeeze %dma_start3A_613 : memref<1x128x128xf32, #tpu.memory_space<vmem>> -> memref<128x128xf32, #tpu.memory_space<vmem>>
      %dma_start3A_615 = tpu.memref_slice %arg5[%mul3A_609] : memref<10240xi32, #tpu.memory_space<vmem>> -> memref<128xi32, #tpu.memory_space<vmem>>
      %dma_start3A_616 = arith.constant 0 : i32
      %dma_start3A_617 = arith.constant 0 : i32
      %dma_start3A_618 = tpu.memref_slice %arg3[%dma_start3A_616, %dma_start3A_617] : memref<1000000x128xf32, #tpu.memory_space<hbm>> -> memref<1000000x128xf32, #tpu.memory_space<hbm>>
      tpu.enqueue_indirect_dma source(%dma_start3A_618 : memref<1000000x128xf32, #tpu.memory_space<hbm>>) target(%dma_start3A_614 : memref<128x128xf32, #tpu.memory_space<vmem>>) offsets(%dma_start3A_615 : memref<128xi32, #tpu.memory_space<vmem>>) semaphore(%arg10 : memref<!tpu.dma_semaphore, #tpu.memory_space<semaphore_mem>>)
      %add3A_619 = arith.constant 4 : i32
      %add3A_620 = arith.addi %add3A_331, %add3A_619 : i32
      %dma_wait3A_621 = arith.constant 0 : i32
      %dma_wait3A_622 = arith.constant 0 : i32
      %dma_wait3A_623 = arith.constant 0 : i32
      %dma_wait3A_624 = tpu.memref_slice %arg6[%dma_wait3A_621, %dma_wait3A_622, %dma_wait3A_623] : memref<5x128x128xf32, #tpu.memory_space<vmem>> -> memref<1x128x128xf32, #tpu.memory_space<vmem>>
      %dma_wait3A_625 = tpu.memref_squeeze %dma_wait3A_624 : memref<1x128x128xf32, #tpu.memory_space<vmem>> -> memref<128x128xf32, #tpu.memory_space<vmem>>
      %dma_wait3A_626 = arith.constant 0 : i32
      %dma_wait3A_627 = tpu.memref_slice %arg5[%dma_wait3A_626] : memref<10240xi32, #tpu.memory_space<vmem>> -> memref<128xi32, #tpu.memory_space<vmem>>
      %dma_wait3A_628 = arith.constant 0 : i32
      %dma_wait3A_629 = arith.constant 0 : i32
      %dma_wait3A_630 = tpu.memref_slice %arg3[%dma_wait3A_628, %dma_wait3A_629] : memref<1000000x128xf32, #tpu.memory_space<hbm>> -> memref<1000000x128xf32, #tpu.memory_space<hbm>>
      tpu.wait_indirect_dma semaphore(%arg7 : memref<!tpu.dma_semaphore, #tpu.memory_space<semaphore_mem>>) src(%dma_wait3A_630 : memref<1000000x128xf32, #tpu.memory_space<hbm>>) dst(%dma_wait3A_625 : memref<128x128xf32, #tpu.memory_space<vmem>>)
      %mul3A_631 = arith.constant 1 : i32
      %mul3A_632 = arith.muli %add3A_620, %mul3A_631 : i32
      %add3A_633 = arith.addi %mul3A_2, %mul3A_632 : i32
      %mul3A_634 = arith.constant 128 : i32
      %mul3A_635 = arith.muli %add3A_633, %mul3A_634 : i32
      %dma_start3A_636 = arith.constant 0 : i32
      %dma_start3A_637 = arith.constant 0 : i32
      %dma_start3A_638 = arith.constant 0 : i32
      %dma_start3A_639 = tpu.memref_slice %arg6[%dma_start3A_636, %dma_start3A_637, %dma_start3A_638] : memref<5x128x128xf32, #tpu.memory_space<vmem>> -> memref<1x128x128xf32, #tpu.memory_space<vmem>>
      %dma_start3A_640 = tpu.memref_squeeze %dma_start3A_639 : memref<1x128x128xf32, #tpu.memory_space<vmem>> -> memref<128x128xf32, #tpu.memory_space<vmem>>
      %dma_start3A_641 = arith.constant 0 : i32
      %dma_start3A_642 = arith.constant 0 : i32
      %dma_start3A_643 = tpu.memref_slice %dma_start3A_640[%dma_start3A_641, %dma_start3A_642] : memref<128x128xf32, #tpu.memory_space<vmem>> -> memref<128x64xf32, #tpu.memory_space<vmem>>
      %dma_start3A_644 = arith.constant 0 : i32
      %dma_start3A_645 = tpu.memref_slice %arg4[%mul3A_635, %dma_start3A_644] : memref<327680x64xf32, #tpu.memory_space<hbm>> -> memref<128x64xf32, #tpu.memory_space<hbm>>
      %dma_start3A_646 = arith.constant 0 : i32
      %dma_start3A_647 = tpu.memref_slice %arg4[%mul3A_635, %dma_start3A_646] : memref<327680x64xf32, #tpu.memory_space<hbm>> -> memref<128x64xf32, #tpu.memory_space<hbm>>
      %dma_start3A_648 = arith.constant 0 : i32
      %dma_start3A_649 = arith.constant 0 : i32
      %dma_start3A_650 = tpu.memref_slice %arg6[%dma_start3A_636, %dma_start3A_648, %dma_start3A_649] : memref<5x128x128xf32, #tpu.memory_space<vmem>> -> memref<1x128x128xf32, #tpu.memory_space<vmem>>
      %dma_start3A_651 = tpu.memref_squeeze %dma_start3A_650 : memref<1x128x128xf32, #tpu.memory_space<vmem>> -> memref<128x128xf32, #tpu.memory_space<vmem>>
      %dma_start3A_652 = arith.constant 0 : i32
      %dma_start3A_653 = arith.constant 0 : i32
      %dma_start3A_654 = tpu.memref_slice %dma_start3A_651[%dma_start3A_652, %dma_start3A_653] : memref<128x128xf32, #tpu.memory_space<vmem>> -> memref<128x64xf32, #tpu.memory_space<vmem>>
      tpu.enqueue_dma source(%dma_start3A_654 : memref<128x64xf32, #tpu.memory_space<vmem>>) target(%dma_start3A_647 : memref<128x64xf32, #tpu.memory_space<hbm>>) target_semaphore(%arg12 : memref<!tpu.dma_semaphore, #tpu.memory_space<semaphore_mem>>)
      %mul3A_655 = arith.constant 128 : i32
      %mul3A_656 = arith.muli %mul3A_2, %mul3A_655 : i32
      %dma_wait3A_657 = arith.constant 4 : i32
      %dma_wait3A_658 = arith.constant 0 : i32
      %dma_wait3A_659 = arith.constant 0 : i32
      %dma_wait3A_660 = tpu.memref_slice %arg6[%dma_wait3A_657, %dma_wait3A_658, %dma_wait3A_659] : memref<5x128x128xf32, #tpu.memory_space<vmem>> -> memref<1x128x128xf32, #tpu.memory_space<vmem>>
      %dma_wait3A_661 = tpu.memref_squeeze %dma_wait3A_660 : memref<1x128x128xf32, #tpu.memory_space<vmem>> -> memref<128x128xf32, #tpu.memory_space<vmem>>
      %dma_wait3A_662 = arith.constant 0 : i32
      %dma_wait3A_663 = arith.constant 0 : i32
      %dma_wait3A_664 = tpu.memref_slice %dma_wait3A_661[%dma_wait3A_662, %dma_wait3A_663] : memref<128x128xf32, #tpu.memory_space<vmem>> -> memref<128x64xf32, #tpu.memory_space<vmem>>
      %dma_wait3A_665 = arith.constant 0 : i32
      %dma_wait3A_666 = tpu.memref_slice %arg4[%mul3A_656, %dma_wait3A_665] : memref<327680x64xf32, #tpu.memory_space<hbm>> -> memref<128x64xf32, #tpu.memory_space<hbm>>
      %dma_wait3A_667 = arith.constant 0 : i32
      %dma_wait3A_668 = tpu.memref_slice %arg4[%mul3A_656, %dma_wait3A_667] : memref<327680x64xf32, #tpu.memory_space<hbm>> -> memref<128x64xf32, #tpu.memory_space<hbm>>
      %dma_wait3A_669 = arith.constant 0 : i32
      %dma_wait3A_670 = arith.constant 0 : i32
      %dma_wait3A_671 = tpu.memref_slice %arg6[%dma_wait3A_657, %dma_wait3A_669, %dma_wait3A_670] : memref<5x128x128xf32, #tpu.memory_space<vmem>> -> memref<1x128x128xf32, #tpu.memory_space<vmem>>
      %dma_wait3A_672 = tpu.memref_squeeze %dma_wait3A_671 : memref<1x128x128xf32, #tpu.memory_space<vmem>> -> memref<128x128xf32, #tpu.memory_space<vmem>>
      %dma_wait3A_673 = arith.constant 0 : i32
      %dma_wait3A_674 = arith.constant 0 : i32
      %dma_wait3A_675 = tpu.memref_slice %dma_wait3A_672[%dma_wait3A_673, %dma_wait3A_674] : memref<128x128xf32, #tpu.memory_space<vmem>> -> memref<128x64xf32, #tpu.memory_space<vmem>>
      tpu.wait_dma2 semaphore(%arg16 : memref<!tpu.dma_semaphore, #tpu.memory_space<semaphore_mem>>) src(%dma_wait3A_675 : memref<128x64xf32, #tpu.memory_space<vmem>>) dst(%dma_wait3A_668 : memref<128x64xf32, #tpu.memory_space<hbm>>)
      %add3A_676 = arith.constant 5 : i32
      %add3A_677 = arith.addi %add3A_620, %add3A_676 : i32
      %sub3A_678 = arith.constant 1 : i32
      %sub3A_679 = arith.subi %add3A_677, %sub3A_678 : i32
      %mul3A_680 = arith.constant 128 : i32
      %mul3A_681 = arith.muli %sub3A_679, %mul3A_680 : i32
      %dma_start3A_682 = arith.constant 4 : i32
      %dma_start3A_683 = arith.constant 0 : i32
      %dma_start3A_684 = arith.constant 0 : i32
      %dma_start3A_685 = tpu.memref_slice %arg6[%dma_start3A_682, %dma_start3A_683, %dma_start3A_684] : memref<5x128x128xf32, #tpu.memory_space<vmem>> -> memref<1x128x128xf32, #tpu.memory_space<vmem>>
      %dma_start3A_686 = tpu.memref_squeeze %dma_start3A_685 : memref<1x128x128xf32, #tpu.memory_space<vmem>> -> memref<128x128xf32, #tpu.memory_space<vmem>>
      %dma_start3A_687 = tpu.memref_slice %arg5[%mul3A_681] : memref<10240xi32, #tpu.memory_space<vmem>> -> memref<128xi32, #tpu.memory_space<vmem>>
      %dma_start3A_688 = arith.constant 0 : i32
      %dma_start3A_689 = arith.constant 0 : i32
      %dma_start3A_690 = tpu.memref_slice %arg3[%dma_start3A_688, %dma_start3A_689] : memref<1000000x128xf32, #tpu.memory_space<hbm>> -> memref<1000000x128xf32, #tpu.memory_space<hbm>>
      tpu.enqueue_indirect_dma source(%dma_start3A_690 : memref<1000000x128xf32, #tpu.memory_space<hbm>>) target(%dma_start3A_686 : memref<128x128xf32, #tpu.memory_space<vmem>>) offsets(%dma_start3A_687 : memref<128xi32, #tpu.memory_space<vmem>>) semaphore(%arg11 : memref<!tpu.dma_semaphore, #tpu.memory_space<semaphore_mem>>)
    }
    %scan3A_89 = arith.constant 15 : i32
    %dma_wait3A_90 = arith.constant 1 : i32
    %dma_wait3A_91 = arith.constant 0 : i32
    %dma_wait3A_92 = arith.constant 0 : i32
    %dma_wait3A_93 = tpu.memref_slice %arg6[%dma_wait3A_90, %dma_wait3A_91, %dma_wait3A_92] : memref<5x128x128xf32, #tpu.memory_space<vmem>> -> memref<1x128x128xf32, #tpu.memory_space<vmem>>
    %dma_wait3A_94 = tpu.memref_squeeze %dma_wait3A_93 : memref<1x128x128xf32, #tpu.memory_space<vmem>> -> memref<128x128xf32, #tpu.memory_space<vmem>>
    %dma_wait3A_95 = arith.constant 0 : i32
    %dma_wait3A_96 = tpu.memref_slice %arg5[%dma_wait3A_95] : memref<10240xi32, #tpu.memory_space<vmem>> -> memref<128xi32, #tpu.memory_space<vmem>>
    %dma_wait3A_97 = arith.constant 0 : i32
    %dma_wait3A_98 = arith.constant 0 : i32
    %dma_wait3A_99 = tpu.memref_slice %arg3[%dma_wait3A_97, %dma_wait3A_98] : memref<1000000x128xf32, #tpu.memory_space<hbm>> -> memref<1000000x128xf32, #tpu.memory_space<hbm>>
    tpu.wait_indirect_dma semaphore(%arg8 : memref<!tpu.dma_semaphore, #tpu.memory_space<semaphore_mem>>) src(%dma_wait3A_99 : memref<1000000x128xf32, #tpu.memory_space<hbm>>) dst(%dma_wait3A_94 : memref<128x128xf32, #tpu.memory_space<vmem>>)
    %add3A_100 = arith.constant 76 : i32
    %add3A_101 = arith.addi %mul3A_2, %add3A_100 : i32
    %mul3A_102 = arith.constant 128 : i32
    %mul3A_103 = arith.muli %add3A_101, %mul3A_102 : i32
    %dma_start3A_104 = arith.constant 1 : i32
    %dma_start3A_105 = arith.constant 0 : i32
    %dma_start3A_106 = arith.constant 0 : i32
    %dma_start3A_107 = tpu.memref_slice %arg6[%dma_start3A_104, %dma_start3A_105, %dma_start3A_106] : memref<5x128x128xf32, #tpu.memory_space<vmem>> -> memref<1x128x128xf32, #tpu.memory_space<vmem>>
    %dma_start3A_108 = tpu.memref_squeeze %dma_start3A_107 : memref<1x128x128xf32, #tpu.memory_space<vmem>> -> memref<128x128xf32, #tpu.memory_space<vmem>>
    %dma_start3A_109 = arith.constant 0 : i32
    %dma_start3A_110 = arith.constant 0 : i32
    %dma_start3A_111 = tpu.memref_slice %dma_start3A_108[%dma_start3A_109, %dma_start3A_110] : memref<128x128xf32, #tpu.memory_space<vmem>> -> memref<128x64xf32, #tpu.memory_space<vmem>>
    %dma_start3A_112 = arith.constant 0 : i32
    %dma_start3A_113 = tpu.memref_slice %arg4[%mul3A_103, %dma_start3A_112] : memref<327680x64xf32, #tpu.memory_space<hbm>> -> memref<128x64xf32, #tpu.memory_space<hbm>>
    %dma_start3A_114 = arith.constant 0 : i32
    %dma_start3A_115 = tpu.memref_slice %arg4[%mul3A_103, %dma_start3A_114] : memref<327680x64xf32, #tpu.memory_space<hbm>> -> memref<128x64xf32, #tpu.memory_space<hbm>>
    %dma_start3A_116 = arith.constant 0 : i32
    %dma_start3A_117 = arith.constant 0 : i32
    %dma_start3A_118 = tpu.memref_slice %arg6[%dma_start3A_104, %dma_start3A_116, %dma_start3A_117] : memref<5x128x128xf32, #tpu.memory_space<vmem>> -> memref<1x128x128xf32, #tpu.memory_space<vmem>>
    %dma_start3A_119 = tpu.memref_squeeze %dma_start3A_118 : memref<1x128x128xf32, #tpu.memory_space<vmem>> -> memref<128x128xf32, #tpu.memory_space<vmem>>
    %dma_start3A_120 = arith.constant 0 : i32
    %dma_start3A_121 = arith.constant 0 : i32
    %dma_start3A_122 = tpu.memref_slice %dma_start3A_119[%dma_start3A_120, %dma_start3A_121] : memref<128x128xf32, #tpu.memory_space<vmem>> -> memref<128x64xf32, #tpu.memory_space<vmem>>
    tpu.enqueue_dma source(%dma_start3A_122 : memref<128x64xf32, #tpu.memory_space<vmem>>) target(%dma_start3A_115 : memref<128x64xf32, #tpu.memory_space<hbm>>) target_semaphore(%arg13 : memref<!tpu.dma_semaphore, #tpu.memory_space<semaphore_mem>>)
    %mul3A_123 = arith.constant 128 : i32
    %mul3A_124 = arith.muli %mul3A_2, %mul3A_123 : i32
    %dma_wait3A_125 = arith.constant 0 : i32
    %dma_wait3A_126 = arith.constant 0 : i32
    %dma_wait3A_127 = arith.constant 0 : i32
    %dma_wait3A_128 = tpu.memref_slice %arg6[%dma_wait3A_125, %dma_wait3A_126, %dma_wait3A_127] : memref<5x128x128xf32, #tpu.memory_space<vmem>> -> memref<1x128x128xf32, #tpu.memory_space<vmem>>
    %dma_wait3A_129 = tpu.memref_squeeze %dma_wait3A_128 : memref<1x128x128xf32, #tpu.memory_space<vmem>> -> memref<128x128xf32, #tpu.memory_space<vmem>>
    %dma_wait3A_130 = arith.constant 0 : i32
    %dma_wait3A_131 = arith.constant 0 : i32
    %dma_wait3A_132 = tpu.memref_slice %dma_wait3A_129[%dma_wait3A_130, %dma_wait3A_131] : memref<128x128xf32, #tpu.memory_space<vmem>> -> memref<128x64xf32, #tpu.memory_space<vmem>>
    %dma_wait3A_133 = arith.constant 0 : i32
    %dma_wait3A_134 = tpu.memref_slice %arg4[%mul3A_124, %dma_wait3A_133] : memref<327680x64xf32, #tpu.memory_space<hbm>> -> memref<128x64xf32, #tpu.memory_space<hbm>>
    %dma_wait3A_135 = arith.constant 0 : i32
    %dma_wait3A_136 = tpu.memref_slice %arg4[%mul3A_124, %dma_wait3A_135] : memref<327680x64xf32, #tpu.memory_space<hbm>> -> memref<128x64xf32, #tpu.memory_space<hbm>>
    %dma_wait3A_137 = arith.constant 0 : i32
    %dma_wait3A_138 = arith.constant 0 : i32
    %dma_wait3A_139 = tpu.memref_slice %arg6[%dma_wait3A_125, %dma_wait3A_137, %dma_wait3A_138] : memref<5x128x128xf32, #tpu.memory_space<vmem>> -> memref<1x128x128xf32, #tpu.memory_space<vmem>>
    %dma_wait3A_140 = tpu.memref_squeeze %dma_wait3A_139 : memref<1x128x128xf32, #tpu.memory_space<vmem>> -> memref<128x128xf32, #tpu.memory_space<vmem>>
    %dma_wait3A_141 = arith.constant 0 : i32
    %dma_wait3A_142 = arith.constant 0 : i32
    %dma_wait3A_143 = tpu.memref_slice %dma_wait3A_140[%dma_wait3A_141, %dma_wait3A_142] : memref<128x128xf32, #tpu.memory_space<vmem>> -> memref<128x64xf32, #tpu.memory_space<vmem>>
    tpu.wait_dma2 semaphore(%arg12 : memref<!tpu.dma_semaphore, #tpu.memory_space<semaphore_mem>>) src(%dma_wait3A_143 : memref<128x64xf32, #tpu.memory_space<vmem>>) dst(%dma_wait3A_136 : memref<128x64xf32, #tpu.memory_space<hbm>>)
    %dma_wait3A_144 = arith.constant 2 : i32
    %dma_wait3A_145 = arith.constant 0 : i32
    %dma_wait3A_146 = arith.constant 0 : i32
    %dma_wait3A_147 = tpu.memref_slice %arg6[%dma_wait3A_144, %dma_wait3A_145, %dma_wait3A_146] : memref<5x128x128xf32, #tpu.memory_space<vmem>> -> memref<1x128x128xf32, #tpu.memory_space<vmem>>
    %dma_wait3A_148 = tpu.memref_squeeze %dma_wait3A_147 : memref<1x128x128xf32, #tpu.memory_space<vmem>> -> memref<128x128xf32, #tpu.memory_space<vmem>>
    %dma_wait3A_149 = arith.constant 0 : i32
    %dma_wait3A_150 = tpu.memref_slice %arg5[%dma_wait3A_149] : memref<10240xi32, #tpu.memory_space<vmem>> -> memref<128xi32, #tpu.memory_space<vmem>>
    %dma_wait3A_151 = arith.constant 0 : i32
    %dma_wait3A_152 = arith.constant 0 : i32
    %dma_wait3A_153 = tpu.memref_slice %arg3[%dma_wait3A_151, %dma_wait3A_152] : memref<1000000x128xf32, #tpu.memory_space<hbm>> -> memref<1000000x128xf32, #tpu.memory_space<hbm>>
    tpu.wait_indirect_dma semaphore(%arg9 : memref<!tpu.dma_semaphore, #tpu.memory_space<semaphore_mem>>) src(%dma_wait3A_153 : memref<1000000x128xf32, #tpu.memory_space<hbm>>) dst(%dma_wait3A_148 : memref<128x128xf32, #tpu.memory_space<vmem>>)
    %add3A_154 = arith.constant 77 : i32
    %add3A_155 = arith.addi %mul3A_2, %add3A_154 : i32
    %mul3A_156 = arith.constant 128 : i32
    %mul3A_157 = arith.muli %add3A_155, %mul3A_156 : i32
    %dma_start3A_158 = arith.constant 2 : i32
    %dma_start3A_159 = arith.constant 0 : i32
    %dma_start3A_160 = arith.constant 0 : i32
    %dma_start3A_161 = tpu.memref_slice %arg6[%dma_start3A_158, %dma_start3A_159, %dma_start3A_160] : memref<5x128x128xf32, #tpu.memory_space<vmem>> -> memref<1x128x128xf32, #tpu.memory_space<vmem>>
    %dma_start3A_162 = tpu.memref_squeeze %dma_start3A_161 : memref<1x128x128xf32, #tpu.memory_space<vmem>> -> memref<128x128xf32, #tpu.memory_space<vmem>>
    %dma_start3A_163 = arith.constant 0 : i32
    %dma_start3A_164 = arith.constant 0 : i32
    %dma_start3A_165 = tpu.memref_slice %dma_start3A_162[%dma_start3A_163, %dma_start3A_164] : memref<128x128xf32, #tpu.memory_space<vmem>> -> memref<128x64xf32, #tpu.memory_space<vmem>>
    %dma_start3A_166 = arith.constant 0 : i32
    %dma_start3A_167 = tpu.memref_slice %arg4[%mul3A_157, %dma_start3A_166] : memref<327680x64xf32, #tpu.memory_space<hbm>> -> memref<128x64xf32, #tpu.memory_space<hbm>>
    %dma_start3A_168 = arith.constant 0 : i32
    %dma_start3A_169 = tpu.memref_slice %arg4[%mul3A_157, %dma_start3A_168] : memref<327680x64xf32, #tpu.memory_space<hbm>> -> memref<128x64xf32, #tpu.memory_space<hbm>>
    %dma_start3A_170 = arith.constant 0 : i32
    %dma_start3A_171 = arith.constant 0 : i32
    %dma_start3A_172 = tpu.memref_slice %arg6[%dma_start3A_158, %dma_start3A_170, %dma_start3A_171] : memref<5x128x128xf32, #tpu.memory_space<vmem>> -> memref<1x128x128xf32, #tpu.memory_space<vmem>>
    %dma_start3A_173 = tpu.memref_squeeze %dma_start3A_172 : memref<1x128x128xf32, #tpu.memory_space<vmem>> -> memref<128x128xf32, #tpu.memory_space<vmem>>
    %dma_start3A_174 = arith.constant 0 : i32
    %dma_start3A_175 = arith.constant 0 : i32
    %dma_start3A_176 = tpu.memref_slice %dma_start3A_173[%dma_start3A_174, %dma_start3A_175] : memref<128x128xf32, #tpu.memory_space<vmem>> -> memref<128x64xf32, #tpu.memory_space<vmem>>
    tpu.enqueue_dma source(%dma_start3A_176 : memref<128x64xf32, #tpu.memory_space<vmem>>) target(%dma_start3A_169 : memref<128x64xf32, #tpu.memory_space<hbm>>) target_semaphore(%arg14 : memref<!tpu.dma_semaphore, #tpu.memory_space<semaphore_mem>>)
    %mul3A_177 = arith.constant 128 : i32
    %mul3A_178 = arith.muli %mul3A_2, %mul3A_177 : i32
    %dma_wait3A_179 = arith.constant 1 : i32
    %dma_wait3A_180 = arith.constant 0 : i32
    %dma_wait3A_181 = arith.constant 0 : i32
    %dma_wait3A_182 = tpu.memref_slice %arg6[%dma_wait3A_179, %dma_wait3A_180, %dma_wait3A_181] : memref<5x128x128xf32, #tpu.memory_space<vmem>> -> memref<1x128x128xf32, #tpu.memory_space<vmem>>
    %dma_wait3A_183 = tpu.memref_squeeze %dma_wait3A_182 : memref<1x128x128xf32, #tpu.memory_space<vmem>> -> memref<128x128xf32, #tpu.memory_space<vmem>>
    %dma_wait3A_184 = arith.constant 0 : i32
    %dma_wait3A_185 = arith.constant 0 : i32
    %dma_wait3A_186 = tpu.memref_slice %dma_wait3A_183[%dma_wait3A_184, %dma_wait3A_185] : memref<128x128xf32, #tpu.memory_space<vmem>> -> memref<128x64xf32, #tpu.memory_space<vmem>>
    %dma_wait3A_187 = arith.constant 0 : i32
    %dma_wait3A_188 = tpu.memref_slice %arg4[%mul3A_178, %dma_wait3A_187] : memref<327680x64xf32, #tpu.memory_space<hbm>> -> memref<128x64xf32, #tpu.memory_space<hbm>>
    %dma_wait3A_189 = arith.constant 0 : i32
    %dma_wait3A_190 = tpu.memref_slice %arg4[%mul3A_178, %dma_wait3A_189] : memref<327680x64xf32, #tpu.memory_space<hbm>> -> memref<128x64xf32, #tpu.memory_space<hbm>>
    %dma_wait3A_191 = arith.constant 0 : i32
    %dma_wait3A_192 = arith.constant 0 : i32
    %dma_wait3A_193 = tpu.memref_slice %arg6[%dma_wait3A_179, %dma_wait3A_191, %dma_wait3A_192] : memref<5x128x128xf32, #tpu.memory_space<vmem>> -> memref<1x128x128xf32, #tpu.memory_space<vmem>>
    %dma_wait3A_194 = tpu.memref_squeeze %dma_wait3A_193 : memref<1x128x128xf32, #tpu.memory_space<vmem>> -> memref<128x128xf32, #tpu.memory_space<vmem>>
    %dma_wait3A_195 = arith.constant 0 : i32
    %dma_wait3A_196 = arith.constant 0 : i32
    %dma_wait3A_197 = tpu.memref_slice %dma_wait3A_194[%dma_wait3A_195, %dma_wait3A_196] : memref<128x128xf32, #tpu.memory_space<vmem>> -> memref<128x64xf32, #tpu.memory_space<vmem>>
    tpu.wait_dma2 semaphore(%arg13 : memref<!tpu.dma_semaphore, #tpu.memory_space<semaphore_mem>>) src(%dma_wait3A_197 : memref<128x64xf32, #tpu.memory_space<vmem>>) dst(%dma_wait3A_190 : memref<128x64xf32, #tpu.memory_space<hbm>>)
    %dma_wait3A_198 = arith.constant 3 : i32
    %dma_wait3A_199 = arith.constant 0 : i32
    %dma_wait3A_200 = arith.constant 0 : i32
    %dma_wait3A_201 = tpu.memref_slice %arg6[%dma_wait3A_198, %dma_wait3A_199, %dma_wait3A_200] : memref<5x128x128xf32, #tpu.memory_space<vmem>> -> memref<1x128x128xf32, #tpu.memory_space<vmem>>
    %dma_wait3A_202 = tpu.memref_squeeze %dma_wait3A_201 : memref<1x128x128xf32, #tpu.memory_space<vmem>> -> memref<128x128xf32, #tpu.memory_space<vmem>>
    %dma_wait3A_203 = arith.constant 0 : i32
    %dma_wait3A_204 = tpu.memref_slice %arg5[%dma_wait3A_203] : memref<10240xi32, #tpu.memory_space<vmem>> -> memref<128xi32, #tpu.memory_space<vmem>>
    %dma_wait3A_205 = arith.constant 0 : i32
    %dma_wait3A_206 = arith.constant 0 : i32
    %dma_wait3A_207 = tpu.memref_slice %arg3[%dma_wait3A_205, %dma_wait3A_206] : memref<1000000x128xf32, #tpu.memory_space<hbm>> -> memref<1000000x128xf32, #tpu.memory_space<hbm>>
    tpu.wait_indirect_dma semaphore(%arg10 : memref<!tpu.dma_semaphore, #tpu.memory_space<semaphore_mem>>) src(%dma_wait3A_207 : memref<1000000x128xf32, #tpu.memory_space<hbm>>) dst(%dma_wait3A_202 : memref<128x128xf32, #tpu.memory_space<vmem>>)
    %add3A_208 = arith.constant 78 : i32
    %add3A_209 = arith.addi %mul3A_2, %add3A_208 : i32
    %mul3A_210 = arith.constant 128 : i32
    %mul3A_211 = arith.muli %add3A_209, %mul3A_210 : i32
    %dma_start3A_212 = arith.constant 3 : i32
    %dma_start3A_213 = arith.constant 0 : i32
    %dma_start3A_214 = arith.constant 0 : i32
    %dma_start3A_215 = tpu.memref_slice %arg6[%dma_start3A_212, %dma_start3A_213, %dma_start3A_214] : memref<5x128x128xf32, #tpu.memory_space<vmem>> -> memref<1x128x128xf32, #tpu.memory_space<vmem>>
    %dma_start3A_216 = tpu.memref_squeeze %dma_start3A_215 : memref<1x128x128xf32, #tpu.memory_space<vmem>> -> memref<128x128xf32, #tpu.memory_space<vmem>>
    %dma_start3A_217 = arith.constant 0 : i32
    %dma_start3A_218 = arith.constant 0 : i32
    %dma_start3A_219 = tpu.memref_slice %dma_start3A_216[%dma_start3A_217, %dma_start3A_218] : memref<128x128xf32, #tpu.memory_space<vmem>> -> memref<128x64xf32, #tpu.memory_space<vmem>>
    %dma_start3A_220 = arith.constant 0 : i32
    %dma_start3A_221 = tpu.memref_slice %arg4[%mul3A_211, %dma_start3A_220] : memref<327680x64xf32, #tpu.memory_space<hbm>> -> memref<128x64xf32, #tpu.memory_space<hbm>>
    %dma_start3A_222 = arith.constant 0 : i32
    %dma_start3A_223 = tpu.memref_slice %arg4[%mul3A_211, %dma_start3A_222] : memref<327680x64xf32, #tpu.memory_space<hbm>> -> memref<128x64xf32, #tpu.memory_space<hbm>>
    %dma_start3A_224 = arith.constant 0 : i32
    %dma_start3A_225 = arith.constant 0 : i32
    %dma_start3A_226 = tpu.memref_slice %arg6[%dma_start3A_212, %dma_start3A_224, %dma_start3A_225] : memref<5x128x128xf32, #tpu.memory_space<vmem>> -> memref<1x128x128xf32, #tpu.memory_space<vmem>>
    %dma_start3A_227 = tpu.memref_squeeze %dma_start3A_226 : memref<1x128x128xf32, #tpu.memory_space<vmem>> -> memref<128x128xf32, #tpu.memory_space<vmem>>
    %dma_start3A_228 = arith.constant 0 : i32
    %dma_start3A_229 = arith.constant 0 : i32
    %dma_start3A_230 = tpu.memref_slice %dma_start3A_227[%dma_start3A_228, %dma_start3A_229] : memref<128x128xf32, #tpu.memory_space<vmem>> -> memref<128x64xf32, #tpu.memory_space<vmem>>
    tpu.enqueue_dma source(%dma_start3A_230 : memref<128x64xf32, #tpu.memory_space<vmem>>) target(%dma_start3A_223 : memref<128x64xf32, #tpu.memory_space<hbm>>) target_semaphore(%arg15 : memref<!tpu.dma_semaphore, #tpu.memory_space<semaphore_mem>>)
    %mul3A_231 = arith.constant 128 : i32
    %mul3A_232 = arith.muli %mul3A_2, %mul3A_231 : i32
    %dma_wait3A_233 = arith.constant 2 : i32
    %dma_wait3A_234 = arith.constant 0 : i32
    %dma_wait3A_235 = arith.constant 0 : i32
    %dma_wait3A_236 = tpu.memref_slice %arg6[%dma_wait3A_233, %dma_wait3A_234, %dma_wait3A_235] : memref<5x128x128xf32, #tpu.memory_space<vmem>> -> memref<1x128x128xf32, #tpu.memory_space<vmem>>
    %dma_wait3A_237 = tpu.memref_squeeze %dma_wait3A_236 : memref<1x128x128xf32, #tpu.memory_space<vmem>> -> memref<128x128xf32, #tpu.memory_space<vmem>>
    %dma_wait3A_238 = arith.constant 0 : i32
    %dma_wait3A_239 = arith.constant 0 : i32
    %dma_wait3A_240 = tpu.memref_slice %dma_wait3A_237[%dma_wait3A_238, %dma_wait3A_239] : memref<128x128xf32, #tpu.memory_space<vmem>> -> memref<128x64xf32, #tpu.memory_space<vmem>>
    %dma_wait3A_241 = arith.constant 0 : i32
    %dma_wait3A_242 = tpu.memref_slice %arg4[%mul3A_232, %dma_wait3A_241] : memref<327680x64xf32, #tpu.memory_space<hbm>> -> memref<128x64xf32, #tpu.memory_space<hbm>>
    %dma_wait3A_243 = arith.constant 0 : i32
    %dma_wait3A_244 = tpu.memref_slice %arg4[%mul3A_232, %dma_wait3A_243] : memref<327680x64xf32, #tpu.memory_space<hbm>> -> memref<128x64xf32, #tpu.memory_space<hbm>>
    %dma_wait3A_245 = arith.constant 0 : i32
    %dma_wait3A_246 = arith.constant 0 : i32
    %dma_wait3A_247 = tpu.memref_slice %arg6[%dma_wait3A_233, %dma_wait3A_245, %dma_wait3A_246] : memref<5x128x128xf32, #tpu.memory_space<vmem>> -> memref<1x128x128xf32, #tpu.memory_space<vmem>>
    %dma_wait3A_248 = tpu.memref_squeeze %dma_wait3A_247 : memref<1x128x128xf32, #tpu.memory_space<vmem>> -> memref<128x128xf32, #tpu.memory_space<vmem>>
    %dma_wait3A_249 = arith.constant 0 : i32
    %dma_wait3A_250 = arith.constant 0 : i32
    %dma_wait3A_251 = tpu.memref_slice %dma_wait3A_248[%dma_wait3A_249, %dma_wait3A_250] : memref<128x128xf32, #tpu.memory_space<vmem>> -> memref<128x64xf32, #tpu.memory_space<vmem>>
    tpu.wait_dma2 semaphore(%arg14 : memref<!tpu.dma_semaphore, #tpu.memory_space<semaphore_mem>>) src(%dma_wait3A_251 : memref<128x64xf32, #tpu.memory_space<vmem>>) dst(%dma_wait3A_244 : memref<128x64xf32, #tpu.memory_space<hbm>>)
    %dma_wait3A_252 = arith.constant 4 : i32
    %dma_wait3A_253 = arith.constant 0 : i32
    %dma_wait3A_254 = arith.constant 0 : i32
    %dma_wait3A_255 = tpu.memref_slice %arg6[%dma_wait3A_252, %dma_wait3A_253, %dma_wait3A_254] : memref<5x128x128xf32, #tpu.memory_space<vmem>> -> memref<1x128x128xf32, #tpu.memory_space<vmem>>
    %dma_wait3A_256 = tpu.memref_squeeze %dma_wait3A_255 : memref<1x128x128xf32, #tpu.memory_space<vmem>> -> memref<128x128xf32, #tpu.memory_space<vmem>>
    %dma_wait3A_257 = arith.constant 0 : i32
    %dma_wait3A_258 = tpu.memref_slice %arg5[%dma_wait3A_257] : memref<10240xi32, #tpu.memory_space<vmem>> -> memref<128xi32, #tpu.memory_space<vmem>>
    %dma_wait3A_259 = arith.constant 0 : i32
    %dma_wait3A_260 = arith.constant 0 : i32
    %dma_wait3A_261 = tpu.memref_slice %arg3[%dma_wait3A_259, %dma_wait3A_260] : memref<1000000x128xf32, #tpu.memory_space<hbm>> -> memref<1000000x128xf32, #tpu.memory_space<hbm>>
    tpu.wait_indirect_dma semaphore(%arg11 : memref<!tpu.dma_semaphore, #tpu.memory_space<semaphore_mem>>) src(%dma_wait3A_261 : memref<1000000x128xf32, #tpu.memory_space<hbm>>) dst(%dma_wait3A_256 : memref<128x128xf32, #tpu.memory_space<vmem>>)
    %add3A_262 = arith.constant 79 : i32
    %add3A_263 = arith.addi %mul3A_2, %add3A_262 : i32
    %mul3A_264 = arith.constant 128 : i32
    %mul3A_265 = arith.muli %add3A_263, %mul3A_264 : i32
    %dma_start3A_266 = arith.constant 4 : i32
    %dma_start3A_267 = arith.constant 0 : i32
    %dma_start3A_268 = arith.constant 0 : i32
    %dma_start3A_269 = tpu.memref_slice %arg6[%dma_start3A_266, %dma_start3A_267, %dma_start3A_268] : memref<5x128x128xf32, #tpu.memory_space<vmem>> -> memref<1x128x128xf32, #tpu.memory_space<vmem>>
    %dma_start3A_270 = tpu.memref_squeeze %dma_start3A_269 : memref<1x128x128xf32, #tpu.memory_space<vmem>> -> memref<128x128xf32, #tpu.memory_space<vmem>>
    %dma_start3A_271 = arith.constant 0 : i32
    %dma_start3A_272 = arith.constant 0 : i32
    %dma_start3A_273 = tpu.memref_slice %dma_start3A_270[%dma_start3A_271, %dma_start3A_272] : memref<128x128xf32, #tpu.memory_space<vmem>> -> memref<128x64xf32, #tpu.memory_space<vmem>>
    %dma_start3A_274 = arith.constant 0 : i32
    %dma_start3A_275 = tpu.memref_slice %arg4[%mul3A_265, %dma_start3A_274] : memref<327680x64xf32, #tpu.memory_space<hbm>> -> memref<128x64xf32, #tpu.memory_space<hbm>>
    %dma_start3A_276 = arith.constant 0 : i32
    %dma_start3A_277 = tpu.memref_slice %arg4[%mul3A_265, %dma_start3A_276] : memref<327680x64xf32, #tpu.memory_space<hbm>> -> memref<128x64xf32, #tpu.memory_space<hbm>>
    %dma_start3A_278 = arith.constant 0 : i32
    %dma_start3A_279 = arith.constant 0 : i32
    %dma_start3A_280 = tpu.memref_slice %arg6[%dma_start3A_266, %dma_start3A_278, %dma_start3A_279] : memref<5x128x128xf32, #tpu.memory_space<vmem>> -> memref<1x128x128xf32, #tpu.memory_space<vmem>>
    %dma_start3A_281 = tpu.memref_squeeze %dma_start3A_280 : memref<1x128x128xf32, #tpu.memory_space<vmem>> -> memref<128x128xf32, #tpu.memory_space<vmem>>
    %dma_start3A_282 = arith.constant 0 : i32
    %dma_start3A_283 = arith.constant 0 : i32
    %dma_start3A_284 = tpu.memref_slice %dma_start3A_281[%dma_start3A_282, %dma_start3A_283] : memref<128x128xf32, #tpu.memory_space<vmem>> -> memref<128x64xf32, #tpu.memory_space<vmem>>
    tpu.enqueue_dma source(%dma_start3A_284 : memref<128x64xf32, #tpu.memory_space<vmem>>) target(%dma_start3A_277 : memref<128x64xf32, #tpu.memory_space<hbm>>) target_semaphore(%arg16 : memref<!tpu.dma_semaphore, #tpu.memory_space<semaphore_mem>>)
    %mul3A_285 = arith.constant 128 : i32
    %mul3A_286 = arith.muli %mul3A_2, %mul3A_285 : i32
    %dma_wait3A_287 = arith.constant 3 : i32
    %dma_wait3A_288 = arith.constant 0 : i32
    %dma_wait3A_289 = arith.constant 0 : i32
    %dma_wait3A_290 = tpu.memref_slice %arg6[%dma_wait3A_287, %dma_wait3A_288, %dma_wait3A_289] : memref<5x128x128xf32, #tpu.memory_space<vmem>> -> memref<1x128x128xf32, #tpu.memory_space<vmem>>
    %dma_wait3A_291 = tpu.memref_squeeze %dma_wait3A_290 : memref<1x128x128xf32, #tpu.memory_space<vmem>> -> memref<128x128xf32, #tpu.memory_space<vmem>>
    %dma_wait3A_292 = arith.constant 0 : i32
    %dma_wait3A_293 = arith.constant 0 : i32
    %dma_wait3A_294 = tpu.memref_slice %dma_wait3A_291[%dma_wait3A_292, %dma_wait3A_293] : memref<128x128xf32, #tpu.memory_space<vmem>> -> memref<128x64xf32, #tpu.memory_space<vmem>>
    %dma_wait3A_295 = arith.constant 0 : i32
    %dma_wait3A_296 = tpu.memref_slice %arg4[%mul3A_286, %dma_wait3A_295] : memref<327680x64xf32, #tpu.memory_space<hbm>> -> memref<128x64xf32, #tpu.memory_space<hbm>>
    %dma_wait3A_297 = arith.constant 0 : i32
    %dma_wait3A_298 = tpu.memref_slice %arg4[%mul3A_286, %dma_wait3A_297] : memref<327680x64xf32, #tpu.memory_space<hbm>> -> memref<128x64xf32, #tpu.memory_space<hbm>>
    %dma_wait3A_299 = arith.constant 0 : i32
    %dma_wait3A_300 = arith.constant 0 : i32
    %dma_wait3A_301 = tpu.memref_slice %arg6[%dma_wait3A_287, %dma_wait3A_299, %dma_wait3A_300] : memref<5x128x128xf32, #tpu.memory_space<vmem>> -> memref<1x128x128xf32, #tpu.memory_space<vmem>>
    %dma_wait3A_302 = tpu.memref_squeeze %dma_wait3A_301 : memref<1x128x128xf32, #tpu.memory_space<vmem>> -> memref<128x128xf32, #tpu.memory_space<vmem>>
    %dma_wait3A_303 = arith.constant 0 : i32
    %dma_wait3A_304 = arith.constant 0 : i32
    %dma_wait3A_305 = tpu.memref_slice %dma_wait3A_302[%dma_wait3A_303, %dma_wait3A_304] : memref<128x128xf32, #tpu.memory_space<vmem>> -> memref<128x64xf32, #tpu.memory_space<vmem>>
    tpu.wait_dma2 semaphore(%arg15 : memref<!tpu.dma_semaphore, #tpu.memory_space<semaphore_mem>>) src(%dma_wait3A_305 : memref<128x64xf32, #tpu.memory_space<vmem>>) dst(%dma_wait3A_298 : memref<128x64xf32, #tpu.memory_space<hbm>>)
    %mul3A_306 = arith.constant 128 : i32
    %mul3A_307 = arith.muli %mul3A_2, %mul3A_306 : i32
    %dma_wait3A_308 = arith.constant 4 : i32
    %dma_wait3A_309 = arith.constant 0 : i32
    %dma_wait3A_310 = arith.constant 0 : i32
    %dma_wait3A_311 = tpu.memref_slice %arg6[%dma_wait3A_308, %dma_wait3A_309, %dma_wait3A_310] : memref<5x128x128xf32, #tpu.memory_space<vmem>> -> memref<1x128x128xf32, #tpu.memory_space<vmem>>
    %dma_wait3A_312 = tpu.memref_squeeze %dma_wait3A_311 : memref<1x128x128xf32, #tpu.memory_space<vmem>> -> memref<128x128xf32, #tpu.memory_space<vmem>>
    %dma_wait3A_313 = arith.constant 0 : i32
    %dma_wait3A_314 = arith.constant 0 : i32
    %dma_wait3A_315 = tpu.memref_slice %dma_wait3A_312[%dma_wait3A_313, %dma_wait3A_314] : memref<128x128xf32, #tpu.memory_space<vmem>> -> memref<128x64xf32, #tpu.memory_space<vmem>>
    %dma_wait3A_316 = arith.constant 0 : i32
    %dma_wait3A_317 = tpu.memref_slice %arg4[%mul3A_307, %dma_wait3A_316] : memref<327680x64xf32, #tpu.memory_space<hbm>> -> memref<128x64xf32, #tpu.memory_space<hbm>>
    %dma_wait3A_318 = arith.constant 0 : i32
    %dma_wait3A_319 = tpu.memref_slice %arg4[%mul3A_307, %dma_wait3A_318] : memref<327680x64xf32, #tpu.memory_space<hbm>> -> memref<128x64xf32, #tpu.memory_space<hbm>>
    %dma_wait3A_320 = arith.constant 0 : i32
    %dma_wait3A_321 = arith.constant 0 : i32
    %dma_wait3A_322 = tpu.memref_slice %arg6[%dma_wait3A_308, %dma_wait3A_320, %dma_wait3A_321] : memref<5x128x128xf32, #tpu.memory_space<vmem>> -> memref<1x128x128xf32, #tpu.memory_space<vmem>>
    %dma_wait3A_323 = tpu.memref_squeeze %dma_wait3A_322 : memref<1x128x128xf32, #tpu.memory_space<vmem>> -> memref<128x128xf32, #tpu.memory_space<vmem>>
    %dma_wait3A_324 = arith.constant 0 : i32
    %dma_wait3A_325 = arith.constant 0 : i32
    %dma_wait3A_326 = tpu.memref_slice %dma_wait3A_323[%dma_wait3A_324, %dma_wait3A_325] : memref<128x128xf32, #tpu.memory_space<vmem>> -> memref<128x64xf32, #tpu.memory_space<vmem>>
    tpu.wait_dma2 semaphore(%arg16 : memref<!tpu.dma_semaphore, #tpu.memory_space<semaphore_mem>>) src(%dma_wait3A_326 : memref<128x64xf32, #tpu.memory_space<vmem>>) dst(%dma_wait3A_319 : memref<128x64xf32, #tpu.memory_space<hbm>>)
    return
  }
}

</mosaic_0001>

<sc_bundles>
// kernel: kernel.3.cloned.1.call-start
scs
__scs_entry_jumppad:
0x0: {  	(pc) =	sbr.rel $0x88, $3  }
0x1: {  	(tag) =	ssettag $0x0;
	lr =	simm.s32 $0x1  }
0x2: {  	[smem:$0x3F9F] =	sst lr;
	_ =	strace $0xD0000000  }
0x3: {  	_ = 	snop  }
0x4: {  	_ = 	snop  }
0x5: {  	_ = 	snop  }
0x6: {  	_ = 	snop  }
0x7: {  	_ = 	snop  }
__scs_overlays_trampoline_lowered:
0x8: {  	[smem:$0x3FAE] =	sst s0  }
0x9: {  	[smem:$0x3FAF] =	sst s1  }
0xa: {  	[smem:$0x3FB0] =	sst s2  }
0xb: {  	[smem:$0x3FB1] =	sst s3  }
0xc: {  	[smem:$0x3FB2] =	sst s4  }
0xd: {  	[smem:$0x3FB3] =	sst s5  }
0xe: {  	[smem:$0x3FB4] =	sst s6  }
0xf: {  	[smem:$0x3FB5] =	sst s7  }
0x10: {  	[smem:$0x3FB6] =	sst s8  }
0x11: {  	[smem:$0x3FB7] =	sst s9;
	s0 =	simm.s32 @!p0 $0x0  }
0x12: {  	s1 =	sld [smem:$0x3F9D];
	s0 =	simm.s32 @p0 $0x1  }
0x13: {  	[smem:$0x3FB8] =	sst s0;
	s0 =	simm.s32 @!p1 $0x0  }
0x14: {  	s2 =	sld [smem:$0x3F9C];
	s0 =	simm.s32 @p1 $0x1  }
0x15: {  	[smem:$0x3FB9] =	sst s0;
	s0 =	simm.s32 @!p2 $0x0  }
0x16: {  	s3 =	sld [smem:$0x3FDB];
	s0 =	simm.s32 @p2 $0x1  }
0x17: {  	s4 =	simm.s32 $0x1BF5;
	[smem:$0x3FBB] =	sst s0  }
0x18: {  	s0 =	sld [smem:$0x3F9E];
	_ =	swait.ge [sflag:s4], $0x0  }
0x19: {  	s7 =	sld [smem:$0x3F9F]  }
0x1a: {  	s8 =	sadd.s32 $0xFFFFE003, lr  }
0x1b: {  	s9 =	sadd.s32 $0xFFFFFEF7, lr;
	s5 =	simm.s32 $0xFFFFFFFF;
	p2 =	slt.u32 s8, $0xFFFFF086  }
0x1c: {  	p1 =	slt.u32 s9, $0xF7A;
	s5 =	simm.s32 @!p2 $0x0  }
0x1d: {  	s5 =	simm.s32 @p1 $0x1;
	p0 =	seq.s32 s7, s2  }
0x1e: {  	s7 =	smul.u32 @!p0 $0xF7A, s2;
	p2 =	seq.s32 @!p0 s5, $0x0  }
0x1f: {  	s9 =	smul.u32 $0xF7A, s1;
	s8 =	simm.s32 @!p0 $0x1BF5;
	p2 =	por !p2, p0  }
0x20: {  	[sflag:s8] =	ssyncset.s32 @!p0 $0xFFFFF086;
	s6 =	sadd.s32 @!p0 s3, s7;
	s7 =	simm.s32 @!p0 $0x108  }
0x21: {  	s3 =	sadd.s32 s3, s9;
	s6 =	sadd.s32 @!p0 $0x88, s6;
	s7 =	simm.s32 @p2 $0x1082  }
0x22: {  	[simem:s7], [sflag:s8] =	dma.local @!p0 [hbm:s6], $0xF7A  }
0x23: {  	s9 =	sor.u32 $0xD0000000, s2;
	s6 =	simm.s32 $0x108;
	_ =	swait.ge @!p0 [sflag:s8], $0x0  }
0x24: {  	s3 =	sadd.s32 $0x88, s3;
	s6 =	simm.s32 @!p1 $0x1082;
	[sflag:s4] =	ssyncset.s32 $0xFFFFF086  }
0x25: {  	[simem:s6], [sflag:s4] =	dma.local [hbm:s3], $0xF7A  }
0x26: {  	[smem:$0x3F9F] =	sst s1;
	(tag) =	ssettag s2;
	_ =	strace s9  }
0x27: {  	s1 =	sld [smem:$0x3FAF]  }
0x28: {  	s2 =	sld [smem:$0x3FB0]  }
0x29: {  	s4 =	sld [smem:$0x3FB2]  }
0x2a: {  	p0 =	seq.s32 s5, $0x0;
	s5 =	sld [smem:$0x3FB3]  }
0x2b: {  	s6 =	sld [smem:$0x3FB4]  }
0x2c: {  	s7 =	sld [smem:$0x3FB5]  }
0x2d: {  	s3 =	simm.s32 $0x108;
	s8 =	sld [smem:$0x3FB6]  }
0x2e: {  	s3 =	simm.s32 @!p0 $0x1082;
	s9 =	sld [smem:$0x3FB7]  }
0x2f: {  	lr =	sadd.s32 s0, s3;
	s0 =	sld [smem:$0x3FAE]  }
0x30: {  	s3 =	sld [smem:$0x3FB1]  }
0x31: {  	[smem:$0x3FBA] =	sst s10  }
0x32: {  	s10 =	sld [smem:$0x3FB8];
	_ =	sdelay $0x3  }
0x33: {  	p0 =	seq.s32 s10, $0x1;
	s10 =	sld [smem:$0x3FBA];
	_ =	sdelay $0x3  }
0x34: {  	[smem:$0x3FBA] =	sst s10  }
0x35: {  	s10 =	sld [smem:$0x3FB9];
	_ =	sdelay $0x3  }
0x36: {  	p1 =	seq.s32 s10, $0x1;
	s10 =	sld [smem:$0x3FBA];
	_ =	sdelay $0x3  }
0x37: {  	[smem:$0x3FBA] =	sst s10  }
0x38: {  	s10 =	sld [smem:$0x3FBB]  }
0x39: {  	_ = 	snop;
	(pc) =	sbr.ind lr, $3  }
0x3a: {  	_ = 	snop  }
0x3b: {  	_ = 	snop  }
0x3c: {  	p2 =	seq.s32 s10, $0x1;
	s10 =	sld [smem:$0x3FBA]  }
0x3d: {  	_ =	shalt  }
0x3e: {  	_ =	shalt  }
0x3f: {  	_ =	shalt  }
0x40: {  	_ =	shalt  }
0x41: {  	_ =	shalt  }
0x42: {  	_ =	shalt  }
0x43: {  	_ =	shalt  }
0x44: {  	_ =	shalt  }
0x45: {  	_ =	shalt  }
0x46: {  	_ =	shalt  }
0x47: {  	_ =	shalt  }
0x48: {  	_ =	shalt  }
0x49: {  	_ =	shalt  }
0x4a: {  	_ =	shalt  }
0x4b: {  	_ =	shalt  }
0x4c: {  	_ =	shalt  }
0x4d: {  	_ =	shalt  }
0x4e: {  	_ =	shalt  }
0x4f: {  	_ =	shalt  }
0x50: {  	_ =	shalt  }
0x51: {  	_ =	shalt  }
0x52: {  	_ =	shalt  }
0x53: {  	_ =	shalt  }
0x54: {  	_ =	shalt  }
0x55: {  	_ =	shalt  }
0x56: {  	_ =	shalt  }
0x57: {  	_ =	shalt  }
0x58: {  	_ =	shalt  }
0x59: {  	_ =	shalt  }
0x5a: {  	_ =	shalt  }
0x5b: {  	_ =	shalt  }
0x5c: {  	_ =	shalt  }
0x5d: {  	_ =	shalt  }
0x5e: {  	_ =	shalt  }
0x5f: {  	_ =	shalt  }
0x60: {  	_ =	shalt  }
0x61: {  	_ =	shalt  }
0x62: {  	_ =	shalt  }
0x63: {  	_ =	shalt  }
0x64: {  	_ =	shalt  }
0x65: {  	_ =	shalt  }
0x66: {  	_ =	shalt  }
0x67: {  	_ =	shalt  }
0x68: {  	_ =	shalt  }
0x69: {  	_ =	shalt  }
0x6a: {  	_ =	shalt  }
0x6b: {  	_ =	shalt  }
0x6c: {  	_ =	shalt  }
0x6d: {  	_ =	shalt  }
0x6e: {  	_ =	shalt  }
0x6f: {  	_ =	shalt  }
0x70: {  	_ =	shalt  }
0x71: {  	_ =	shalt  }
0x72: {  	_ =	shalt  }
0x73: {  	_ =	shalt  }
0x74: {  	_ =	shalt  }
0x75: {  	_ =	shalt  }
0x76: {  	_ =	shalt  }
0x77: {  	_ =	shalt  }
0x78: {  	_ =	shalt  }
0x79: {  	_ =	shalt  }
0x7a: {  	_ =	shalt  }
0x7b: {  	_ =	shalt  }
0x7c: {  	_ =	shalt  }
0x7d: {  	_ =	shalt  }
0x7e: {  	_ =	shalt  }
0x7f: {  	_ =	shalt  }
0x80: {  	_ =	shalt  }
0x81: {  	_ =	shalt  }
0x82: {  	_ =	shalt  }
0x83: {  	_ =	shalt  }
0x84: {  	_ =	shalt  }
0x85: {  	_ =	shalt  }
0x86: {  	_ =	shalt  }
0x87: {  	_ =	shalt  }
.Lfunc_end0:
.L_simem_size_0:
called_computation.1_lowered:
.L_overlay_start_0:
0x88: {  	s2 =	sld [smem:$0x3FD9]  }
0x89: {  	s3 =	sld [smem:$0x3FFE];
	_ =	sdelay $0x1  }
0x8a: {  	s1 =	srdreg.scid  }
0x8b: {  	s0 =	sand.u32 $0x1, s1  }
0x8c: {  	s17 =	sshll.u32 s0, $0xA;
	s2 =	sadd.s32 s3, s2  }
0x8d: {  	s2 =	sadd.s32 s2, s17  }
0x8e: {  	[smem:$0x3FC6] =	sst s2  }
0x8f: {  	_ = 	snop  }
0x90: {  	s2 =	sld [smem:$0x3FD0];
	(tm) =	ssettm $0x1  }
0x91: {  	s18 =	sld [smem:$0x3FFB];
	_ =	sdelay $0x3  }
0x92: {  	_ =	strace s18  }
0x93: {  	s3 =	sld [smem:$0x3FFC];
	_ =	sdelay $0x3  }
0x94: {  	_ =	strace s3  }
0x95: {  	s3 =	sld [smem:$0x3FFD];
	_ =	sdelay $0x3  }
0x96: {  	_ =	strace s3  }
0x97: {  	_ =	strace $0x8FFFFFFF  }
0x98: {  	s19 =	sld [smem:$0x3FDB];
	_ =	sdelay $0x1  }
0x99: {  	s4 =	simm.s32 $_scs_section_size  }
0x9a: {  	s5 =	simm.s32 $_size__tile_overlayer_lowered;
	s6 =	simm.s32 $_tile_overlayer_lowered  }
0x9b: {  	s22 =	simm.s32 $0x1BFF;
	s21 =	sshll.u32 s6, $0x1;
	s3 =	sadd.s32 s4, s19  }
0x9c: {  	s7 =	simm.s32 $0x0;
	s20 =	sshll.u32 s5, $0x1;
	s5 =	sadd.s32 s21, s3  }
0x9d: {  	[timem:s7], [sflag:s22] =	dma.local [hbm:s5], s20  }
0x9e: {  	_ =	swait.ge [sflag:s22], s20  }
0x9f: {  	s4 =	ssub.s32 $0x0, s20;
	[sflag:s22] =	ssyncset.done $0x0  }
0xa0: {  	[sflag:s22] =	ssyncadd.s32 s4;
	_ =	sdelay $0x1  }
0xa1: {  	s23 =	simm.s32 $0x1B8B  }
0xa2: {  	_ =	swait.ge [sflag:s23], $0x1  }
0xa3: {  	[sflag:s23] =	ssyncset.done $0x0  }
0xa4: {  	s25 =	simm.s32 $0x1B8E;
	s24 =	sld [smem:$0x3FFE];
	[sflag:s23] =	ssyncadd.s32 $0xFFFFFFFF  }
0xa5: {  	s26 =	simm.s32 $execute0_lowered;
	[smem:$0x3FD2] =	sst s25  }
0xa6: {  	s5 =	sshll.u32 s26, $0x1;
	_ =	strace $0x80000046;
	[dreg:$0x1] =	wrdreg $0xFFFFFFFF  }
0xa7: {  	s28 =	simm.s32 $_size_execute0_lowered;
	s3 =	sadd.s32 s3, s5;
	[dreg:$0x0] =	wrdreg $0x0  }
0xa8: {  	s5 =	sshll.u32 s28, $0x1;
	[dreg:$0x2] =	wrdreg s3  }
0xa9: {  	[dreg:$0x3] =	wrdreg s5  }
0xaa: {  	[dreg:$0x4] =	wrdreg $0xC0  }
0xab: {  	_ =	task [dreg:s7], $0x5FFFF  }
0xac: {  	[dreg:$0x1] =	wrdreg $0xFFFFFFFF  }
0xad: {  	[dreg:$0x0] =	wrdreg $0x60  }
0xae: {  	[dreg:$0x2] =	wrdreg s24  }
0xaf: {  	[dreg:$0x3] =	wrdreg s2  }
0xb0: {  	[dreg:$0x4] =	wrdreg $0x9  }
0xb1: {  	_ =	task.clear_ibuf [dreg:s7], $0x5FFFF;
	_ =	strace $0x90000046  }
0xb2: {  	s29 =	simm.s32 $0x9;
	_ =	strace $0x80000048  }
0xb3: {  	_ =	swait.ge [sflag:s29], $0x1  }
0xb4: {  	[sflag:s29] =	ssyncadd.s32 $0xFFFFFFFF  }
0xb5: {  	_ =	strace $0x90000048  }
0xb6: {  	_ =	sfence  }
0xb7: {  	s30 =	sld [smem:$0x0];
	_ =	sdelay $0x2  }
0xb8: {  	s31 =	sshll.u32 s1, $0xD;
	s1 =	sshrl.u32 s1, $0x2  }
0xb9: {  	s3 =	sand.u32 $0x4000, s31;
	s1 =	sadd.s32 s1, s30  }
0xba: {  	s0 =	sor.u32 s3, s0;
	s1 =	sshll.u32 s1, $0x11  }
0xbb: {  	s0 =	sor.u32 s1, s0  }
0xbc: {  	s0 =	sadd.s32 $0x8F2B, s0  }
0xbd: {  	[sflag:s0] =	ssyncadd.remote.s32 $0x1  }
0xbe: {  	_ =	sfence.sel $0xFFFF  }
0xbf: {  	[dreg:$0x0] =	wrdreg $0xFFFFFFFF;
	(pc) =	sbr.abs _section_cstart, $3  }
0xc0: {  	[dreg:$0x1] =	wrdreg $0xFFFFFFFF  }
0xc1: {  	_ =	task.clear_ibuf [dreg:s7], $0x2FFFF;
	_ =	strace $0x9FFFFFFF  }
0xc2: {  	(tm) =	ssettm $0x7FFFFFFF  }
0xc3: {  	_ =	shalt  }
tec
execute0_lowered:
.L_overlay_start_1:
0x0: {  	(tag) =	ssettag $0x1  }
0x1: {  	s0 =	srdreg.scid  }
0x2: {  	s2 =	stileid.u32;
	s1 =	rddreg [dreg:$0x0];
	s18 =	simm.s32 $0x80  }
0x3: {  	s28 =	simm.s32 $0x2;
	s0 =	sand.u32 $0x1, s0;
	s3 =	sshll.u32 s2, $0x1  }
0x4: {  	s29 =	simm.s32 $0x6;
	s31 =	simm.s32 $0x3;
	s4 =	sor.u32 s0, s3  }
0x5: {  	s20 =	simm.s32 $0x8;
	s22 =	simm.s32 $0x5;
	s5 =	smul.u32 $0x500, s4  }
0x6: {  	s2 =	rddreg [dreg:$0x1];
	s3 =	simm.s32 $0x0;
	s11 =	smul.u32 $0x50, s4  }
0x7: {  	s0 =	ssub.s32 $0x2, s0;
	[smem:$0x7FF] =	sst s3;
	s6 =	smul.u32 $0x14000, s4  }
0x8: {  	s8 =	sshrl.u32 s0, $0x1;
	s4 =	smul.u32 $0xA0000, s4;
	_ =	strace $0x80000047  }
0x9: {  	s0 =	ssub.s32 s0, s8;
	s8 =	simm.s32 $0x0;
	s7 =	sadd.s32 s5, s1  }
0xa: {  	s5 =	sadd.s32 $0xF4CE00, s1;
	s25 =	sor.u32 $0x1, s11;
	s26 =	sshrl.u32 s4, $0x3  }
0xb: {  	s30 =	sor.u32 $0x2, s11;
	s10 =	sor.u32 $0x3, s11;
	s9 =	smov.u32 s11  }
0xc: {  	s11 =	sor.u32 $0x4, s11;
	s0 =	smax.u32 s0, $0x1;
	[dreg:$0x4] =	wrdreg s25  }
0xd: {  	s24 =	sadd.s32 $0xF42E00, s7;
	s7 =	sadd.s32 s2, s6;
	[dreg:$0x5] =	wrdreg s30  }
0xe: {  	s1 =	sadd.s32 s2, s26;
	[dreg:$0x6] =	wrdreg s0;
	s0 =	simm.s32 $0x4  }
0xf: {  	s25 =	simm.s32 $0x9;
	s6 =	simm.s32 $0xA;
	[dreg:$0x3] =	wrdreg s24  }
0x10: {  	s12 =	sadd.s32 $0x13000, s1;
	s13 =	sadd.s32 $0x13400, s1;
	s14 =	sadd.s32 $0x13800, s1  }
0x11: {  	s15 =	sadd.s32 $0x13C00, s1;
	s24 =	simm.s32 $0x1;
	s1 =	simm.s32 $0x7  }
.LBB2_1:
0x12: {  	[dreg:$0x7] =	wrdreg s8  }
0x13: {  	s4 =	rddreg [dreg:$0x3];
	s16 =	simm.s32 $0xB  }
0x14: {  	[tilespmem:s3], [sflag:$0xB] =	stream.linear.gather [hbm4b:s4+s3], $0x2800, $0x38;
	[tilespmem:$0x16800] =	vst v63  }
0x15: {  	_ =	swait.ge [sflag:s16], $0x2800  }
0x16: {  	[sflag:s16] =	ssyncset.done $0x0  }
0x17: {  	s17 =	simm.s32 $0x2800;
	[sflag:s16] =	ssyncadd.s32 $0xFFFFD800  }
0x18: {  	[tilespmem:s17], [sflag:$0x1] =	stream.indirect.gather [hbm4b:s5+s18], $0x80, s3, s18, $0xb8;
	[tilespmem:$0x16800] =	vst v63  }
0x19: {  	s19 =	simm.s32 $0x6800  }
0x1a: {  	[tilespmem:s19], [sflag:$0x2] =	stream.indirect.gather [hbm4b:s5+s18], $0x80, s18, s18, $0xb8;
	[tilespmem:$0x16800] =	vst v63  }
0x1b: {  	s21 =	simm.s32 $0x100;
	s23 =	simm.s32 $0xA800  }
0x1c: {  	[tilespmem:s23], [sflag:$0x3] =	stream.indirect.gather [hbm4b:s5+s18], $0x80, s21, s18, $0xb8;
	[tilespmem:$0x16800] =	vst v63  }
0x1d: {  	s26 =	simm.s32 $0x180;
	s30 =	simm.s32 $0xE800  }
0x1e: {  	[tilespmem:s30], [sflag:$0x4] =	stream.indirect.gather [hbm4b:s5+s18], $0x80, s26, s18, $0xb8;
	[tilespmem:$0x16800] =	vst v63  }
0x1f: {  	_ =	swait.ge [sflag:s24], $0x4000  }
0x20: {  	s4 =	simm.s32 $0x2800;
	s16 =	simm.s32 $0x8;
	[sflag:s24] =	ssyncset.done $0x0  }
0x21: {  	s17 =	simm.s32 $0x2880;
	s19 =	sadd.s32 $0x0, s7;
	[sflag:s24] =	ssyncadd.s32 $0xFFFFC000  }
.LBB2_2:
0x22: {  	[hbm4b:s19+s3] =	stream.linear.scatter [tilespmem:s4], [sflag:$0x6], $0x40, $0x38;
	[tilespmem:$0x16800] =	vst v63  }
0x23: {  	s8 =	smov.u32 s16;
	s4 =	smov.u32 s17;
	p0 =	sne.s32 s16, $0x3F8  }
.Ltmp0:
0x24: {  	s16 =	sadd.s32 $0x8, s16;
	(pc) =	sbr.rel @p0 .LBB2_2-.Ltmp0, $2  }
0x25: {  	_ =	sdelay $0x2  }
0x26: {  	s17 =	sadd.s32 $0x80, s17;
	s19 =	sadd.s32 s8, s7  }
0x27: {  	[hbm4b:s19+s3] =	stream.linear.scatter [tilespmem:s4], [sflag:$0x6], $0x40, $0x38;
	[tilespmem:$0x16800] =	vst v63  }
0x28: {  	s30 =	simm.s32 $0x200;
	s8 =	simm.s32 $0x12800;
	s17 =	simm.s32 $0x0  }
0x29: {  	[tilespmem:s8], [sflag:$0x5] =	stream.indirect.gather [hbm4b:s5+s18], $0x80, s30, s18, $0xb8;
	[tilespmem:$0x16800] =	vst v63  }
.LBB2_4:
0x2a: {  	s19 =	smul.u32 $0x5, s17  }
0x2b: {  	s4 =	rddreg [dreg:$0x4]  }
0x2c: {  	s4 =	sadd.s32 s19, s4  }
0x2d: {  	s4 =	sshll.u32 s4, $0xA  }
0x2e: {  	_ =	swait.ge [sflag:s28], $0x4000;
	s21 =	simm.s32 $0x6800;
	s4 =	sand.u32 $0x1FFFFC00, s4  }
0x2f: {  	s23 =	simm.s32 $0x8;
	[sflag:s28] =	ssyncset.done $0x0;
	s16 =	sadd.s32 s2, s4  }
0x30: {  	s26 =	simm.s32 $0x6880;
	[sflag:s28] =	ssyncadd.s32 $0xFFFFC000;
	s4 =	sadd.s32 $0x0, s16  }
.LBB2_5:
0x31: {  	[hbm4b:s4+s3] =	stream.linear.scatter [tilespmem:s21], [sflag:$0x7], $0x40, $0x38;
	[tilespmem:$0x16800] =	vst v63  }
0x32: {  	s4 =	smov.u32 s23;
	s21 =	smov.u32 s26;
	p0 =	sne.s32 s23, $0x3F8  }
.Ltmp1:
0x33: {  	s23 =	sadd.s32 $0x8, s23;
	(pc) =	sbr.rel @p0 .LBB2_5-.Ltmp1, $2  }
0x34: {  	_ =	sdelay $0x2  }
0x35: {  	s26 =	sadd.s32 $0x80, s26;
	s4 =	sadd.s32 s4, s16  }
0x36: {  	[hbm4b:s4+s3] =	stream.linear.scatter [tilespmem:s21], [sflag:$0x7], $0x40, $0x38;
	[tilespmem:$0x16800] =	vst v63  }
0x37: {  	s16 =	sadd.s32 $0x5, s19;
	_ =	swait.ge [sflag:s29], $0x2000  }
0x38: {  	s8 =	simm.s32 $0x2800;
	s23 =	sshll.u32 s16, $0x7;
	[sflag:s29] =	ssyncset.done $0x0  }
0x39: {  	s4 =	sand.u32 $0x3FFFFF80, s23;
	s26 =	rddreg [dreg:$0x5];
	[sflag:s29] =	ssyncadd.s32 $0xFFFFE000  }
0x3a: {  	[tilespmem:s8], [sflag:$0x1] =	stream.indirect.gather [hbm4b:s5+s18], $0x80, s4, s18, $0xb8;
	[tilespmem:$0x16800] =	vst v63  }
0x3b: {  	s4 =	sadd.s32 s19, s26  }
0x3c: {  	s4 =	sshll.u32 s4, $0xA  }
0x3d: {  	s30 =	simm.s32 $0xA880;
	_ =	swait.ge [sflag:s31], $0x4000;
	s4 =	sand.u32 $0x1FFFFC00, s4  }
0x3e: {  	s23 =	simm.s32 $0xA800;
	[sflag:s31] =	ssyncset.done $0x0;
	s21 =	sadd.s32 s2, s4  }
0x3f: {  	s26 =	simm.s32 $0x8;
	[sflag:s31] =	ssyncadd.s32 $0xFFFFC000;
	s4 =	sadd.s32 $0x0, s21  }
.LBB2_7:
0x40: {  	[hbm4b:s4+s3] =	stream.linear.scatter [tilespmem:s23], [sflag:$0x8], $0x40, $0x38;
	[tilespmem:$0x16800] =	vst v63  }
0x41: {  	s4 =	smov.u32 s26;
	s23 =	smov.u32 s30;
	p0 =	sne.s32 s26, $0x3F8  }
.Ltmp2:
0x42: {  	s26 =	sadd.s32 $0x8, s26;
	(pc) =	sbr.rel @p0 .LBB2_7-.Ltmp2, $2  }
0x43: {  	_ =	sdelay $0x2  }
0x44: {  	s30 =	sadd.s32 $0x80, s30;
	s4 =	sadd.s32 s4, s21  }
0x45: {  	[hbm4b:s4+s3] =	stream.linear.scatter [tilespmem:s23], [sflag:$0x8], $0x40, $0x38;
	[tilespmem:$0x16800] =	vst v63  }
0x46: {  	s23 =	smul.u32 $0xA00, s17  }
0x47: {  	_ =	swait.ge [sflag:s1], $0x2000  }
0x48: {  	s8 =	simm.s32 $0x6800;
	[sflag:s1] =	ssyncset.done $0x0;
	s21 =	sshra.s32 s23, $0x2  }
0x49: {  	s26 =	sadd.s32 s19, s10;
	[sflag:s1] =	ssyncadd.s32 $0xFFFFE000;
	s4 =	sadd.s32 $0x300, s21  }
0x4a: {  	[tilespmem:s8], [sflag:$0x2] =	stream.indirect.gather [hbm4b:s5+s18], $0x80, s4, s18, $0xb8;
	[tilespmem:$0x16800] =	vst v63  }
0x4b: {  	s4 =	sshll.u32 s26, $0xA  }
0x4c: {  	s30 =	simm.s32 $0x8;
	_ =	swait.ge [sflag:s0], $0x4000;
	s4 =	sand.u32 $0x1FFFFC00, s4  }
0x4d: {  	s26 =	simm.s32 $0xE800;
	[sflag:s0] =	ssyncset.done $0x0;
	s23 =	sadd.s32 s2, s4  }
0x4e: {  	s4 =	simm.s32 $0xE880;
	[sflag:s0] =	ssyncadd.s32 $0xFFFFC000;
	s8 =	sadd.s32 $0x0, s23  }
.LBB2_9:
0x4f: {  	[hbm4b:s8+s3] =	stream.linear.scatter [tilespmem:s26], [sflag:$0x9], $0x40, $0x38;
	[tilespmem:$0x16800] =	vst v63  }
0x50: {  	s8 =	smov.u32 s30;
	s26 =	smov.u32 s4;
	p0 =	sne.s32 s30, $0x3F8  }
.Ltmp3:
0x51: {  	s30 =	sadd.s32 $0x8, s30;
	(pc) =	sbr.rel @p0 .LBB2_9-.Ltmp3, $2  }
0x52: {  	_ =	sdelay $0x2  }
0x53: {  	s4 =	sadd.s32 $0x80, s4;
	s8 =	sadd.s32 s8, s23  }
0x54: {  	[hbm4b:s8+s3] =	stream.linear.scatter [tilespmem:s26], [sflag:$0x9], $0x40, $0x38;
	[tilespmem:$0x16800] =	vst v63  }
0x55: {  	_ =	swait.ge [sflag:s20], $0x2000  }
0x56: {  	s4 =	sadd.s32 $0x380, s21;
	[sflag:s20] =	ssyncset.done $0x0  }
0x57: {  	s26 =	simm.s32 $0xA800;
	s30 =	sadd.s32 s19, s11;
	[sflag:s20] =	ssyncadd.s32 $0xFFFFE000  }
0x58: {  	[tilespmem:s26], [sflag:$0x3] =	stream.indirect.gather [hbm4b:s5+s18], $0x80, s4, s18, $0xb8;
	[tilespmem:$0x16800] =	vst v63  }
0x59: {  	s4 =	sshll.u32 s30, $0xA  }
0x5a: {  	s23 =	simm.s32 $0x12800;
	_ =	swait.ge [sflag:s22], $0x4000;
	s4 =	sand.u32 $0x1FFFFC00, s4  }
0x5b: {  	s26 =	simm.s32 $0x8;
	[sflag:s22] =	ssyncset.done $0x0;
	s19 =	sadd.s32 s2, s4  }
0x5c: {  	s4 =	simm.s32 $0x12880;
	[sflag:s22] =	ssyncadd.s32 $0xFFFFC000;
	s8 =	sadd.s32 $0x0, s19  }
.LBB2_11:
0x5d: {  	[hbm4b:s8+s3] =	stream.linear.scatter [tilespmem:s23], [sflag:$0xA], $0x40, $0x38;
	[tilespmem:$0x16800] =	vst v63  }
0x5e: {  	s8 =	smov.u32 s26;
	s23 =	smov.u32 s4;
	p0 =	sne.s32 s26, $0x3F8  }
.Ltmp4:
0x5f: {  	s26 =	sadd.s32 $0x8, s26;
	(pc) =	sbr.rel @p0 .LBB2_11-.Ltmp4, $2  }
0x60: {  	_ =	sdelay $0x2  }
0x61: {  	s4 =	sadd.s32 $0x80, s4;
	s8 =	sadd.s32 s8, s19  }
0x62: {  	[hbm4b:s8+s3] =	stream.linear.scatter [tilespmem:s23], [sflag:$0xA], $0x40, $0x38;
	[tilespmem:$0x16800] =	vst v63  }
0x63: {  	_ =	swait.ge [sflag:s25], $0x2000  }
0x64: {  	s4 =	sadd.s32 $0x400, s21;
	[sflag:s25] =	ssyncset.done $0x0  }
0x65: {  	s26 =	simm.s32 $0xE800;
	s30 =	sadd.s32 s9, s16;
	[sflag:s25] =	ssyncadd.s32 $0xFFFFE000  }
0x66: {  	[tilespmem:s26], [sflag:$0x4] =	stream.indirect.gather [hbm4b:s5+s18], $0x80, s4, s18, $0xb8;
	[tilespmem:$0x16800] =	vst v63  }
0x67: {  	s4 =	sshll.u32 s30, $0xA  }
0x68: {  	s19 =	simm.s32 $0x2800;
	_ =	swait.ge [sflag:s24], $0x4000;
	s4 =	sand.u32 $0x1FFFFC00, s4  }
0x69: {  	s23 =	simm.s32 $0x8;
	[sflag:s24] =	ssyncset.done $0x0;
	s16 =	sadd.s32 s2, s4  }
0x6a: {  	s4 =	simm.s32 $0x2880;
	[sflag:s24] =	ssyncadd.s32 $0xFFFFC000;
	s8 =	sadd.s32 $0x0, s16  }
.LBB2_13:
0x6b: {  	[hbm4b:s8+s3] =	stream.linear.scatter [tilespmem:s19], [sflag:$0x6], $0x40, $0x38;
	[tilespmem:$0x16800] =	vst v63  }
0x6c: {  	s8 =	smov.u32 s23;
	s19 =	smov.u32 s4;
	p0 =	sne.s32 s23, $0x3F8  }
.Ltmp5:
0x6d: {  	s23 =	sadd.s32 $0x8, s23;
	(pc) =	sbr.rel @p0 .LBB2_13-.Ltmp5, $2  }
0x6e: {  	_ =	sdelay $0x2  }
0x6f: {  	s4 =	sadd.s32 $0x80, s4;
	s8 =	sadd.s32 s8, s16  }
0x70: {  	[hbm4b:s8+s3] =	stream.linear.scatter [tilespmem:s19], [sflag:$0x6], $0x40, $0x38;
	[tilespmem:$0x16800] =	vst v63  }
0x71: {  	s17 =	sadd.s32 $0x1, s17  }
0x72: {  	p0 =	sne.s32 s17, $0xF  }
.Ltmp6:
0x73: {  	_ = 	snop;
	(pc) =	sbr.rel @p0 .LBB2_4-.Ltmp6, $4  }
0x74: {  	_ =	swait.ge [sflag:s6], $0x2000  }
0x75: {  	[sflag:s6] =	ssyncset.done $0x0  }
0x76: {  	s4 =	sadd.s32 $0x480, s21;
	s30 =	simm.s32 $0x12800;
	[sflag:s6] =	ssyncadd.s32 $0xFFFFE000  }
0x77: {  	[tilespmem:s30], [sflag:$0x5] =	stream.indirect.gather [hbm4b:s5+s18], $0x80, s4, s18, $0xb8;
	[tilespmem:$0x16800] =	vst v63  }
0x78: {  	_ =	swait.ge [sflag:s28], $0x4000  }
0x79: {  	s16 =	simm.s32 $0x6800;
	s17 =	simm.s32 $0x8;
	[sflag:s28] =	ssyncset.done $0x0  }
0x7a: {  	s8 =	sadd.s32 $0x0, s12;
	s4 =	simm.s32 $0x6880;
	[sflag:s28] =	ssyncadd.s32 $0xFFFFC000  }
.LBB2_16:
0x7b: {  	[hbm4b:s8+s3] =	stream.linear.scatter [tilespmem:s16], [sflag:$0x7], $0x40, $0x38;
	[tilespmem:$0x16800] =	vst v63  }
0x7c: {  	s8 =	smov.u32 s17;
	s16 =	smov.u32 s4;
	p0 =	sne.s32 s17, $0x3F8  }
.Ltmp7:
0x7d: {  	s17 =	sadd.s32 $0x8, s17;
	(pc) =	sbr.rel @p0 .LBB2_16-.Ltmp7, $2  }
0x7e: {  	_ =	sdelay $0x2  }
0x7f: {  	s4 =	sadd.s32 $0x80, s4;
	s8 =	sadd.s32 s8, s12  }
0x80: {  	[hbm4b:s8+s3] =	stream.linear.scatter [tilespmem:s16], [sflag:$0x7], $0x40, $0x38;
	[tilespmem:$0x16800] =	vst v63  }
0x81: {  	_ =	swait.ge [sflag:s29], $0x2000  }
0x82: {  	[sflag:s29] =	ssyncset.done $0x0  }
0x83: {  	[sflag:s29] =	ssyncadd.s32 $0xFFFFE000  }
0x84: {  	_ =	swait.ge [sflag:s31], $0x4000  }
0x85: {  	s16 =	simm.s32 $0xA800;
	s17 =	simm.s32 $0x8;
	[sflag:s31] =	ssyncset.done $0x0  }
0x86: {  	s8 =	sadd.s32 $0x0, s13;
	s4 =	simm.s32 $0xA880;
	[sflag:s31] =	ssyncadd.s32 $0xFFFFC000  }
.LBB2_18:
0x87: {  	[hbm4b:s8+s3] =	stream.linear.scatter [tilespmem:s16], [sflag:$0x8], $0x40, $0x38;
	[tilespmem:$0x16800] =	vst v63  }
0x88: {  	s8 =	smov.u32 s17;
	s16 =	smov.u32 s4;
	p0 =	sne.s32 s17, $0x3F8  }
.Ltmp8:
0x89: {  	s17 =	sadd.s32 $0x8, s17;
	(pc) =	sbr.rel @p0 .LBB2_18-.Ltmp8, $2  }
0x8a: {  	_ =	sdelay $0x2  }
0x8b: {  	s4 =	sadd.s32 $0x80, s4;
	s8 =	sadd.s32 s8, s13  }
0x8c: {  	[hbm4b:s8+s3] =	stream.linear.scatter [tilespmem:s16], [sflag:$0x8], $0x40, $0x38;
	[tilespmem:$0x16800] =	vst v63  }
0x8d: {  	_ =	swait.ge [sflag:s1], $0x2000  }
0x8e: {  	[sflag:s1] =	ssyncset.done $0x0  }
0x8f: {  	[sflag:s1] =	ssyncadd.s32 $0xFFFFE000  }
0x90: {  	_ =	swait.ge [sflag:s0], $0x4000  }
0x91: {  	s16 =	simm.s32 $0xE800;
	s17 =	simm.s32 $0x8;
	[sflag:s0] =	ssyncset.done $0x0  }
0x92: {  	s8 =	sadd.s32 $0x0, s14;
	s4 =	simm.s32 $0xE880;
	[sflag:s0] =	ssyncadd.s32 $0xFFFFC000  }
.LBB2_20:
0x93: {  	[hbm4b:s8+s3] =	stream.linear.scatter [tilespmem:s16], [sflag:$0x9], $0x40, $0x38;
	[tilespmem:$0x16800] =	vst v63  }
0x94: {  	s8 =	smov.u32 s17;
	s16 =	smov.u32 s4;
	p0 =	sne.s32 s17, $0x3F8  }
.Ltmp9:
0x95: {  	s17 =	sadd.s32 $0x8, s17;
	(pc) =	sbr.rel @p0 .LBB2_20-.Ltmp9, $2  }
0x96: {  	_ =	sdelay $0x2  }
0x97: {  	s4 =	sadd.s32 $0x80, s4;
	s8 =	sadd.s32 s8, s14  }
0x98: {  	[hbm4b:s8+s3] =	stream.linear.scatter [tilespmem:s16], [sflag:$0x9], $0x40, $0x38;
	[tilespmem:$0x16800] =	vst v63  }
0x99: {  	_ =	swait.ge [sflag:s20], $0x2000  }
0x9a: {  	[sflag:s20] =	ssyncset.done $0x0  }
0x9b: {  	[sflag:s20] =	ssyncadd.s32 $0xFFFFE000  }
0x9c: {  	_ =	swait.ge [sflag:s22], $0x4000  }
0x9d: {  	s16 =	simm.s32 $0x12800;
	s17 =	simm.s32 $0x8;
	[sflag:s22] =	ssyncset.done $0x0  }
0x9e: {  	s8 =	sadd.s32 $0x0, s15;
	s4 =	simm.s32 $0x12880;
	[sflag:s22] =	ssyncadd.s32 $0xFFFFC000  }
.LBB2_22:
0x9f: {  	[hbm4b:s8+s3] =	stream.linear.scatter [tilespmem:s16], [sflag:$0xA], $0x40, $0x38;
	[tilespmem:$0x16800] =	vst v63  }
0xa0: {  	s8 =	smov.u32 s17;
	s16 =	smov.u32 s4;
	p0 =	sne.s32 s17, $0x3F8  }
.Ltmp10:
0xa1: {  	s17 =	sadd.s32 $0x8, s17;
	(pc) =	sbr.rel @p0 .LBB2_22-.Ltmp10, $2  }
0xa2: {  	_ =	sdelay $0x2  }
0xa3: {  	s4 =	sadd.s32 $0x80, s4;
	s8 =	sadd.s32 s8, s15  }
0xa4: {  	[hbm4b:s8+s3] =	stream.linear.scatter [tilespmem:s16], [sflag:$0xA], $0x40, $0x38;
	[tilespmem:$0x16800] =	vst v63  }
0xa5: {  	_ =	swait.ge [sflag:s25], $0x2000  }
0xa6: {  	[sflag:s25] =	ssyncset.done $0x0  }
0xa7: {  	[sflag:s25] =	ssyncadd.s32 $0xFFFFE000  }
0xa8: {  	_ =	swait.ge [sflag:s6], $0x2000  }
0xa9: {  	s30 =	rddreg [dreg:$0x7]  }
0xaa: {  	s4 =	rddreg [dreg:$0x6];
	s8 =	sadd.s32 $0x1, s30  }
0xab: {  	p0 =	sne.s32 s8, s4  }
.Ltmp11:
0xac: {  	_ = 	snop;
	(pc) =	sbr.rel @p0 .LBB2_1-.Ltmp11, $3  }
0xad: {  	_ =	sdelay $0x1  }
0xae: {  	[sflag:s6] =	ssyncset.done $0x0  }
0xaf: {  	[sflag:s6] =	ssyncadd.s32 $0xFFFFE000  }
0xb0: {  	_ =	sfence.sel $0x180000  }
0xb1: {  	[bflag:$0x0] =	sbarrier.arrive $0xFFFF  }
0xb2: {  	_ =	strace $0x90000047  }
0xb3: {  	s0 =	stileid.u32;
	[bflag:$0x2] =	sbarrier.arrive $0xFFFF  }
0xb4: {  	p0 =	sne.s32 s0, $0x0;
	s0 =	rddreg [dreg:$0x2]  }
0xb5: {  	s0 =	sadd.s32 @!p0 $0x100000, s0  }
0xb6: {  	[sflag:s0] =	ssyncadd.tile.s32 @!p0 $0x1;
	_ =	shalt  }
.Lfunc_end2:
_tile_overlayer_lowered:
.L_overlay_start_2:
0xb7: {  	(tag) =	ssettag $0x2  }
0xb8: {  	s0 =	rddreg [dreg:$0x0];
	s2 =	stileid.u32  }
0xb9: {  	s1 =	rddreg [dreg:$0x1];
	p0 =	sne.s32 s2, $0x0  }
0xba: {  	s3 =	rddreg [dreg:$0x2];
	[bflag:$0x3] =	sbarrier.arrive $0xFFFF;
	s2 =	simm.s32 @!p0 $0x1C0B  }
0xbb: {  	[timem:s3], [sflag:s2] =	dma.local @!p0 [hbm:s0], s1  }
0xbc: {  	s0 =	simm.s32 @!p0 $0xB  }
0xbd: {  	_ =	swait.ge @!p0 [sflag:s0], s1  }
0xbe: {  	s1 =	ssub.s32 @!p0 $0x0, s1;
	[sflag:s0] =	ssyncset.done @!p0 $0x0  }
0xbf: {  	[sflag:s0] =	ssyncadd.s32 @!p0 s1  }
0xc0: {  	[bflag:$0x3] =	sbarrier.arrive $0xFFFF  }
0xc1: {  	_ =	shalt  }

// kernel: sparse-core-data-format-call.cloned.1.call-start
scs
called_computation_lowered:
.L_overlay_start_0:
0x0: {  	s2 =	sld [smem:$0x3FD9]  }
0x1: {  	s3 =	sld [smem:$0x3FFE];
	_ =	sdelay $0x1  }
0x2: {  	s1 =	srdreg.scid  }
0x3: {  	s0 =	sand.u32 $0x1, s1  }
0x4: {  	s18 =	sshll.u32 s0, $0xA;
	s2 =	sadd.s32 s3, s2  }
0x5: {  	s2 =	sadd.s32 s2, s18  }
0x6: {  	[smem:$0x3FC6] =	sst s2  }
0x7: {  	_ = 	snop  }
0x8: {  	s2 =	sld [smem:$0x3FD0];
	(tm) =	ssettm $0x1  }
0x9: {  	s19 =	sld [smem:$0x3FFB];
	_ =	sdelay $0x3  }
0xa: {  	_ =	strace s19  }
0xb: {  	s3 =	sld [smem:$0x3FFC];
	_ =	sdelay $0x3  }
0xc: {  	_ =	strace s3  }
0xd: {  	s3 =	sld [smem:$0x3FFD];
	_ =	sdelay $0x3  }
0xe: {  	_ =	strace s3  }
0xf: {  	_ =	strace $0x8FFFFFFF  }
0x10: {  	s20 =	sld [smem:$0x3FDB];
	_ =	sdelay $0x1  }
0x11: {  	s4 =	simm.s32 $_scs_section_size  }
0x12: {  	s5 =	simm.s32 $_size__tile_overlayer_lowered;
	s6 =	simm.s32 $_tile_overlayer_lowered  }
0x13: {  	s23 =	simm.s32 $0x1BFF;
	s22 =	sshll.u32 s6, $0x1;
	s3 =	sadd.s32 s4, s20  }
0x14: {  	s7 =	simm.s32 $0x0;
	s21 =	sshll.u32 s5, $0x1;
	s5 =	sadd.s32 s22, s3  }
0x15: {  	[timem:s7], [sflag:s23] =	dma.local [hbm:s5], s21  }
0x16: {  	_ =	swait.ge [sflag:s23], s21  }
0x17: {  	s4 =	ssub.s32 $0x0, s21;
	[sflag:s23] =	ssyncset.done $0x0  }
0x18: {  	[sflag:s23] =	ssyncadd.s32 s4;
	_ =	sdelay $0x1  }
0x19: {  	s24 =	simm.s32 $0x1B8B  }
0x1a: {  	_ =	swait.ge [sflag:s24], $0x1  }
0x1b: {  	[sflag:s24] =	ssyncset.done $0x0  }
0x1c: {  	s26 =	simm.s32 $0x1B8E;
	s25 =	sld [smem:$0x3FFE];
	[sflag:s24] =	ssyncadd.s32 $0xFFFFFFFF  }
0x1d: {  	s27 =	simm.s32 $execute0_lowered;
	[smem:$0x3FD2] =	sst s26  }
0x1e: {  	s5 =	sshll.u32 s27, $0x1;
	_ =	strace $0x80000049;
	[dreg:$0x1] =	wrdreg $0xFFFFFFFF  }
0x1f: {  	s28 =	simm.s32 $_size_execute0_lowered;
	s3 =	sadd.s32 s3, s5;
	[dreg:$0x0] =	wrdreg $0x0  }
0x20: {  	s5 =	sshll.u32 s28, $0x1;
	[dreg:$0x2] =	wrdreg s3  }
0x21: {  	[dreg:$0x3] =	wrdreg s5  }
0x22: {  	[dreg:$0x4] =	wrdreg $0xC0  }
0x23: {  	_ =	task [dreg:s7], $0x5FFFF  }
0x24: {  	[dreg:$0x1] =	wrdreg $0xFFFFFFFF  }
0x25: {  	[dreg:$0x0] =	wrdreg $0x60  }
0x26: {  	[dreg:$0x2] =	wrdreg s25  }
0x27: {  	[dreg:$0x3] =	wrdreg s2  }
0x28: {  	[dreg:$0x4] =	wrdreg $0x9  }
0x29: {  	_ =	task.clear_ibuf [dreg:s7], $0x5FFFF;
	_ =	strace $0x90000049  }
0x2a: {  	s29 =	simm.s32 $0x9;
	_ =	strace $0x8000004B  }
0x2b: {  	_ =	swait.ge [sflag:s29], $0x1  }
0x2c: {  	[sflag:s29] =	ssyncadd.s32 $0xFFFFFFFF  }
0x2d: {  	_ =	strace $0x9000004B  }
0x2e: {  	_ =	sfence  }
0x2f: {  	s30 =	sld [smem:$0x0];
	_ =	sdelay $0x2  }
0x30: {  	s31 =	sshll.u32 s1, $0xD;
	s1 =	sshrl.u32 s1, $0x2  }
0x31: {  	s3 =	sand.u32 $0x4000, s31;
	s1 =	sadd.s32 s1, s30  }
0x32: {  	s0 =	sor.u32 s3, s0;
	s1 =	sshll.u32 s1, $0x11  }
0x33: {  	s0 =	sor.u32 s1, s0  }
0x34: {  	s0 =	sadd.s32 $0x8F2B, s0  }
0x35: {  	[sflag:s0] =	ssyncadd.remote.s32 $0x1  }
0x36: {  	_ =	sfence.sel $0xFFFF  }
0x37: {  	[dreg:$0x0] =	wrdreg $0xFFFFFFFF;
	(pc) =	sbr.abs _section_cstart, $3  }
0x38: {  	[dreg:$0x1] =	wrdreg $0xFFFFFFFF  }
0x39: {  	_ =	task.clear_ibuf [dreg:s7], $0x2FFFF;
	_ =	strace $0x9FFFFFFF  }
0x3a: {  	(tm) =	ssettm $0x7FFFFFFF  }
0x3b: {  	_ =	shalt  }
tec
execute0_lowered:
.L_overlay_start_1:
0x0: {  	(tag) =	ssettag $0x1  }
0x1: {  	s0 =	srdreg.scid  }
0x2: {  	s1 =	sshll.u32 s0, $0x4  }
0x3: {  	s0 =	stileid.u32;
	s1 =	sand.u32 $0x10, s1  }
0x4: {  	s1 =	sor.u32 s0, s1  }
0x5: {  	s6 =	rddreg [dreg:$0x0];
	s4 =	simm.s32 $0x1;
	s2 =	sshll.u32 s1, $0x7  }
0x6: {  	s7 =	simm.s32 $0x2;
	s12 =	simm.s32 $0x0;
	s1 =	ssub.s32 $0x4000, s2  }
0x7: {  	s8 =	simm.s32 $0x20000;
	s13 =	simm.s32 $0x0;
	s3 =	sand.u32 $0xF80, s1  }
0x8: {  	s9 =	simm.s32 $0x0;
	s5 =	sshrl.u32 s1, $0xC;
	p0 =	sne.s32 s3, $0x0  }
.Ltmp0:
0x9: {  	s1 =	rddreg [dreg:$0x2];
	s4 =	simm.s32 @!p0 $0x0;
	(pc) =	sbr.rel .LBB1_1-.Ltmp0, $4  }
0xa: {  	s11 =	simm.s32 $0x0;
	s3 =	rddreg [dreg:$0x1];
	s5 =	sadd.s32 s4, s5  }
0xb: {  	_ =	strace $0x8000004A;
	s4 =	simm.s32 $0x1;
	s5 =	smul.u32 $0x14, s5  }
0xc: {  	s6 =	sadd.s32 $0xA00, s6;
	s10 =	smov.u32 s2;
	[sflag:s4] =	ssyncpa.u1 $0x0  }
0xd: {  	p0 =	por $0x0, $0x0;
	[sflag:s7] =	ssyncpa.u1 $0x0;
	s7 =	sor.u32 $0x1, s5  }
.LBB1_4:
0xe: {  	s16 =	sshll.u32 s13, $0x3;
	s17 =	sand.u32 $0x78, s13  }
0xf: {  	s30 =	sand.u32 $0x1F800, s13;
	s12 =	sshll.u32 s12, $0x11;
	s16 =	sand.u32 $0x3C00, s16  }
0x10: {  	[tilespmem:s15+$0x810 ss:$0x81] =	vst.msk $0xffff, v2;
	s31 =	sand.u32 $0x7, s13;
	s16 =	sor.u32 s17, s16;
	s17 =	sadd.s32 s3, s30  }
0x11: {  	[tilespmem:s15+$0x1020 ss:$0x81] =	vst.msk $0xffff, v0;
	s13 =	sshll.u32 s31, $0x12;
	s12 =	sadd.s32 s12, s17;
	s16 =	sshrl.u32 s16, $0x3  }
0x12: {  	[tilespmem:s15+$0x0 ss:$0x81] =	vst.msk $0xffff, v1;
	s13 =	sor.u32 $0x400, s13;
	s12 =	sadd.s32 s16, s12  }
0x13: {  	[hbm4b:s12+s13] =	stream.strided.scatter [tilespmem:s14], [sflag:$0x2], $0x2000, s8, s13, $0x20;
	[tilespmem:$0x8080] =	vst v63  }
.LBB1_5:
0x14: {  	s14 =	sadd.s32 $0x1, s9  }
0x15: {  	s12 =	sadd.s32 $0x1000, s10;
	s16 =	smov.u32 s10;
	p2 =	sgt.s32 s14, $0x13  }
0x16: {  	s16 =	smov.u32 @p2 s12  }
0x17: {  	s14 =	simm.s32 @p2 $0x0;
	p2 =	sgt.s32 s16, $0x3FFF  }
0x18: {  	s16 =	smov.u32 @p2 s2;
	p2 =	sne.s32 s11, s7  }
.Ltmp1:
0x19: {  	p1 =	slt.u32 s11, $0x2;
	(pc) =	sbr.rel @!p2 .LBB1_6-.Ltmp1, $4  }
0x1a: {  	s15 =	simm.s32 @!p1 $0x2  }
0x1b: {  	s13 =	smov.u32 s10;
	p0 =	por !p0, !p0;
	_ =	swait.ge @!p1 [sflag:s15], $0x2000  }
0x1c: {  	s12 =	smov.u32 s9;
	[sflag:s15] =	ssyncset.done @!p1 $0x0;
	s9 =	smov.u32 s14  }
0x1d: {  	s11 =	sadd.s32 $0x1, s11;
	[sflag:s15] =	ssyncadd.s32 @!p1 $0xFFFFE000;
	s10 =	smov.u32 s16  }
.LBB1_1:
0x1e: {  	p1 =	sge.u32 s11, s5  }
0x1f: {  	s14 =	sand.u32 @!p1 $0x1FFFFFF, s9  }
0x20: {  	s15 =	smulhi.u32 @!p1 $0xAAAAAAB, s14;
	_ =	sdelay $0x1  }
0x21: {  	s15 =	smul.u32 @!p1 $0x18, s15  }
0x22: {  	s16 =	sxor.u32 @!p1 $0xFFFFFFFF, s11;
	s17 =	smul.u32 @!p1 $0x180, s10  }
0x23: {  	s31 =	sadd.s32 $0xFFFFFFFF, s11;
	s16 =	sshll.u32 @!p1 s16, $0xD;
	s14 =	ssub.s32 @!p1 s14, s15  }
0x24: {  	s15 =	sand.u32 @!p1 $0x2000, s16;
	s16 =	sadd.s32 @!p1 s6, s17;
	s14 =	sshll.u32 @!p1 s14, $0x4  }
0x25: {  	s17 =	simm.s32 @!p1 $0xC00;
	s14 =	sadd.s32 @!p1 s14, s16;
	s16 =	simm.s32 @!p1 $0x40  }
0x26: {  	[tilespmem:s15], [sflag:$0x1] =	stream.strided.gather @!p1 [hbm4b:s14+s16], $0x2000, s17, s16, $0x38;
	[tilespmem:$0x8080] =	vst v63  }
0x27: {  	p1 =	sge.u32 s31, s5  }
.Ltmp2:
0x28: {  	_ = 	snop;
	(pc) =	sbr.rel @p1 .LBB1_5-.Ltmp2, $1  }
0x29: {  	_ =	sdelay $0x3  }
0x2a: {  	s14 =	simm.s32 $0x1  }
0x2b: {  	_ =	swait.ge [sflag:s4], $0x2000;
	s14 =	simm.s32 @!p0 $0x0  }
0x2c: {  	[sflag:s4] =	ssyncset.done $0x0;
	s15 =	sshll.u32 s14, $0xD  }
0x2d: {  	[sflag:s4] =	ssyncadd.s32 $0xFFFFE000;
	s18 =	sor.u32 $0x20, s15  }
0x2e: {  	s14 =	smul.u32 $0x8100, s14;
	v3 =	vld [tilespmem:s18+$0x10]  }
0x2f: {  	s30 =	sand.u32 $0x1, s11;
	v2 =	vld [tilespmem:s18+$0xFFFFFFF0]  }
0x30: {  	s15 =	smul.u32 $0x8100, s30;
	s14 =	sshrl.u32 s14, $0x2;
	v0 =	vld [tilespmem:s18+$0x0]  }
0x31: {  	v1 =	vld [tilespmem:s18+$0xFFFFFFE0];
	s16 =	sor.u32 $0x4000, s14  }
0x32: {  	s31 =	sshrl.u32 s15, $0x2;
	s15 =	sadd.s32 $0x0, s16  }
0x33: {  	s17 =	simm.s32 $0x4;
	s18 =	sadd.s32 $0x40, s18;
	s14 =	sor.u32 $0x4000, s31;
	[tilespmem:s15+$0x1830 ss:$0x81] =	vst.msk $0xffff, v3  }
.LBB1_3:
0x34: {  	v3 =	vld [tilespmem:s18+$0x10];
	p1 =	sne.s32 s17, $0x1FC;
	[tilespmem:s15+$0x810 ss:$0x81] =	vst.msk $0xffff, v2;
	s19 =	smov.u32 s17;
	s17 =	sadd.s32 $0x4, s17  }
.Ltmp3:
0x35: {  	v2 =	vld [tilespmem:s18+$0xFFFFFFF0];
	[tilespmem:s15+$0x1020 ss:$0x81] =	vst.msk $0xffff, v0;
	(pc) =	sbr.rel @p1 .LBB1_3-.Ltmp3, $4  }
0x36: {  	v0 =	vld [tilespmem:s18+$0x0];
	[tilespmem:s15+$0x0 ss:$0x81] =	vst.msk $0xffff, v1  }
0x37: {  	s15 =	sshra.s32 s19, $0x2;
	v1 =	vld [tilespmem:s18+$0xFFFFFFE0]  }
0x38: {  	s15 =	sadd.s32 s15, s16  }
0x39: {  	s18 =	sadd.s32 $0x40, s18;
	[tilespmem:s15+$0x1830 ss:$0x81] =	vst.msk $0xffff, v3  }
.Ltmp4:
0x3a: {  	_ = 	snop;
	(pc) =	sbr.rel .LBB1_4-.Ltmp4, $1  }
0x3b: {  	_ =	sdelay $0x3  }
.LBB1_6:
0x3c: {  	_ =	sfence.sel $0x180000  }
0x3d: {  	s2 =	simm.s32 $0x1;
	[bflag:$0x0] =	sbarrier.arrive $0xFFFF  }
0x3e: {  	s31 =	simm.s32 $0x2;
	[sflag:s2] =	ssyncpa.u1 $0x1  }
0x3f: {  	[sflag:s31] =	ssyncpa.u1 $0x1  }
0x40: {  	p0 =	sne.s32 s0, $0x0;
	_ =	strace $0x9000004A  }
0x41: {  	s0 =	sadd.s32 @!p0 $0x100000, s1;
	[bflag:$0x2] =	sbarrier.arrive $0xFFFF  }
0x42: {  	[sflag:s0] =	ssyncadd.tile.s32 @!p0 $0x1;
	_ =	shalt  }
.Lfunc_end1:
_tile_overlayer_lowered:
.L_overlay_start_2:
0x43: {  	(tag) =	ssettag $0x2  }
0x44: {  	s0 =	rddreg [dreg:$0x0];
	s2 =	stileid.u32  }
0x45: {  	s1 =	rddreg [dreg:$0x1];
	p0 =	sne.s32 s2, $0x0  }
0x46: {  	s3 =	rddreg [dreg:$0x2];
	[bflag:$0x3] =	sbarrier.arrive $0xFFFF;
	s2 =	simm.s32 @!p0 $0x1C01  }
0x47: {  	[timem:s3], [sflag:s2] =	dma.local @!p0 [hbm:s0], s1  }
0x48: {  	s0 =	simm.s32 @!p0 $0x1  }
0x49: {  	_ =	swait.ge @!p0 [sflag:s0], s1  }
0x4a: {  	s1 =	ssub.s32 @!p0 $0x0, s1;
	[sflag:s0] =	ssyncset.done @!p0 $0x0  }
0x4b: {  	[sflag:s0] =	ssyncadd.s32 @!p0 s1  }
0x4c: {  	[bflag:$0x3] =	sbarrier.arrive $0xFFFF  }
0x4d: {  	_ =	shalt  }

</sc_bundles>
